<compile_context>
chip_gen: v7x
topology: tpu7x:2x2x1
jax: 0.10.2.dev20260603
libtpu: 0.0.44.dev20260713+nightly
codegen_flags: <defaults>
</compile_context>

<pallas_src>
import functools

import jax
import jax.numpy as jnp
from jax import lax
from jax.experimental import pallas as pl
from jax.experimental.pallas import tpu as pltpu
from jax.experimental.pallas import tpu_sc as plsc

N = 10000
E = 320000
F = 128
G = 128
NCLS = 10

NC = 2
NS = 16
NW = NC * NS
EPW = E // NW
C = 80
NCHUNK = EPW // C
RPT = G // NS


def _edge_cnt_body(edge_hbm, batch_hbm, out_hbm,
                   batch_v, srcall_v, dstall_v, flat_v0, flat_v1, ones_v,
                   zrow_v, acc_sh, s0, s1, sz):
    cid = lax.axis_index("c")
    sid = lax.axis_index("s")
    wid = cid * NS + sid

    pltpu.sync_copy(batch_hbm, batch_v)
    pltpu.sync_copy(edge_hbm.at[pl.ds(wid * EPW, EPW)], srcall_v)
    pltpu.sync_copy(edge_hbm.at[pl.ds(E + wid * EPW, EPW)], dstall_v)

    fb = (flat_v0, flat_v1)
    sems = (s0, s1)

    def zbody(j, carry):
        zrow_v[pl.ds(16 * j, 16)] = jnp.zeros((16,), jnp.float32)
        return carry

    lax.fori_loop(0, N // 16, zbody, 0)
    for j in range(C // 16):
        ones_v[pl.ds(16 * j, 16)] = jnp.ones((16,), jnp.float32)

    for r in range(RPT):
        pltpu.async_copy(zrow_v, acc_sh.at[pl.ds((sid * RPT + r) * N, N)], sz)
    for r in range(RPT):
        pltpu.make_async_copy(zrow_v,
                              acc_sh.at[pl.ds((sid * RPT + r) * N, N)],
                              sz).wait()

    plsc.subcore_barrier()

    def compute_flat(k, b):
        for j in range(C // 16):
            d16 = dstall_v[pl.ds(k * C + 16 * j, 16)]
            g16 = plsc.load_gather(batch_v, [d16])
            s16 = srcall_v[pl.ds(k * C + 16 * j, 16)]
            fb[b][pl.ds(16 * j, 16)] = g16 * N + s16

    def issue(b):
        pltpu.async_copy(ones_v, acc_sh.at[fb[b]], sems[b], add=True)

    def drain(b):
        pltpu.make_async_copy(ones_v, acc_sh.at[fb[b]], sems[b]).wait()

    compute_flat(0, 0)
    issue(0)
    compute_flat(1, 1)
    issue(1)

    def body(k, carry):
        @pl.when((k % 2) == 0)
        def _even():
            drain(0)
            compute_flat(k, 0)
            issue(0)

        @pl.when((k % 2) == 1)
        def _odd():
            drain(1)
            compute_flat(k, 1)
            issue(1)

        return carry

    lax.fori_loop(2, NCHUNK, body, 0)
    drain(0)
    drain(1)

    plsc.subcore_barrier()

    pltpu.sync_copy(acc_sh.at[pl.ds(sid * RPT * N, RPT * N)],
                    out_hbm.at[pl.ds(cid * G * N + sid * RPT * N, RPT * N)])


@functools.cache
def _edge_cnt():
    return pl.kernel(
        _edge_cnt_body,
        out_type=jax.ShapeDtypeStruct((NC * G * N,), jnp.float32),
        mesh=plsc.VectorSubcoreMesh(core_axis_name="c", subcore_axis_name="s",
                                    num_cores=NC, num_subcores=NS),
        scratch_types=[
            pltpu.VMEM((N,), jnp.int32),
            pltpu.VMEM((EPW,), jnp.int32),
            pltpu.VMEM((EPW,), jnp.int32),
            pltpu.VMEM((C,), jnp.int32),
            pltpu.VMEM((C,), jnp.int32),
            pltpu.VMEM((C,), jnp.float32),
            pltpu.VMEM((N,), jnp.float32),
            pltpu.VMEM_SHARED((G * N,), jnp.float32),
            pltpu.SemaphoreType.DMA,
            pltpu.SemaphoreType.DMA,
            pltpu.SemaphoreType.DMA,
        ],
        compiler_params=pltpu.CompilerParams(needs_layout_passes=False),
    )


def _xpart_body(batch_ref, x_ref, wroot_ref, xw_ref, cnt_ref):
    b = batch_ref[0, :]
    oh = (b[:, None] == lax.broadcasted_iota(jnp.int32, (N, G), 1)
          ).astype(jnp.float32)
    xall = x_ref[...]
    X = lax.dot_general(oh, xall, (((0,), (0,)), ((), ())),
                        preferred_element_type=jnp.float32)
    cnt_ref[...] = lax.dot_general(oh, jnp.ones((N, 1), jnp.float32),
                                   (((0,), (0,)), ((), ())),
                                   preferred_element_type=jnp.float32)
    xw_ref[...] = lax.dot_general(X, wroot_ref[...], (((1,), (0,)), ((), ())),
                                  preferred_element_type=jnp.float32)


def _xpart(batch2, x, W_root):
    return pl.pallas_call(
        _xpart_body,
        out_shape=(jax.ShapeDtypeStruct((G, F), jnp.float32),
                   jax.ShapeDtypeStruct((G, 1), jnp.float32)),
    )(batch2, x, W_root)


def _combine_body(x_ref, cn_ref, wrel_ref, brel_ref, xw_ref, cnt_ref,
                  wlin_ref, blin_ref, out_ref):
    xall = x_ref[...]
    call = cn_ref[0] + cn_ref[1]
    A = lax.dot_general(call, xall, (((1,), (0,)), ((), ())),
                        preferred_element_type=jnp.float32)
    cnt = cnt_ref[...]
    sums = (lax.dot_general(A, wrel_ref[...], (((1,), (0,)), ((), ())),
                            preferred_element_type=jnp.float32)
            + cnt * brel_ref[...]
            + xw_ref[...])
    pooled = sums / jnp.maximum(cnt, 1.0)
    out_ref[...] = (lax.dot_general(pooled, wlin_ref[...],
                                    (((1,), (0,)), ((), ())),
                                    preferred_element_type=jnp.float32)
                    + blin_ref[...])


def _combine(x, cn, W_rel, b_rel2, xw, cnt, W_lin, b_lin2):
    return pl.pallas_call(
        _combine_body,
        out_shape=jax.ShapeDtypeStruct((G, NCLS), jnp.float32),
    )(x, cn, W_rel, b_rel2, xw, cnt, W_lin, b_lin2)


def kernel(x, edge_index, batch, W_rel, b_rel, W_root, W_lin, b_lin):
    edge_flat = edge_index.reshape(2 * E)
    cn = _edge_cnt()(edge_flat, batch).reshape(NC, G, N)
    batch2 = batch.reshape(1, N)
    xw, cnt = _xpart(batch2, x, W_root)
    return _combine(x, cn, W_rel, b_rel.reshape(1, F), xw, cnt,
                    W_lin, b_lin.reshape(1, NCLS))

# --- scband reference (transcript-rebuilt; emitter-appended) ---
"""Pipeline reference for scband-gcn-30571577213137 (READ-ONLY COPY).

The authoritative reference and input builder live on the scoring server;
editing this copy changes nothing except your own understanding.
"""

import jax, jax.numpy as jnp
import numpy as np

N = 10000
E = 320000
F_IN = 128
HID = 128
NUM_CLASSES = 10
NUM_GRAPHS = 128


def setup_inputs(seed: int = 0) -> dict:
    key = jax.random.key(seed)
    k1, k2, k3, k4, k5, k6, k7 = jax.random.split(key, 7)
    x = jax.random.normal(k1, (N, F_IN), dtype=jnp.float32)
    edge_index = jax.random.randint(k2, (2, E), 0, N)
    batch = jnp.sort(jax.random.randint(k3, (N,), 0, NUM_GRAPHS))
    # GraphConv params: lin_rel (applied to aggregated neighbors, has bias),
    # lin_root (applied to root node features, no bias)
    W_rel = jax.random.normal(k4, (F_IN, HID), dtype=jnp.float32) * 0.05
    b_rel = jnp.zeros((HID,), dtype=jnp.float32)
    W_root = jax.random.normal(k5, (F_IN, HID), dtype=jnp.float32) * 0.05
    # final classifier Linear
    W_lin = jax.random.normal(k6, (HID, NUM_CLASSES), dtype=jnp.float32) * 0.05
    b_lin = jnp.zeros((NUM_CLASSES,), dtype=jnp.float32)
    return {"x": x, "edge_index": edge_index, "batch": batch,
            "W_rel": W_rel, "b_rel": b_rel, "W_root": W_root,
            "W_lin": W_lin, "b_lin": b_lin}


def reference(x, edge_index, batch, W_rel, b_rel, W_root, W_lin, b_lin):
    src = edge_index[0]
    dst = edge_index[1]
    # GraphConv(aggr='add'): out = lin_rel(sum_{j in N(i)} x_j) + lin_root(x_i)
    msgs = jnp.take(x, src, axis=0)                      # gather
    agg = jax.ops.segment_sum(msgs, dst, num_segments=N) # scatter-add
    h = agg @ W_rel + b_rel + x @ W_root
    # global_mean_pool over graph assignment `batch`
    sums = jax.ops.segment_sum(h, batch, num_segments=NUM_GRAPHS)
    counts = jax.ops.segment_sum(jnp.ones((N, 1), dtype=jnp.float32), batch,
                                 num_segments=NUM_GRAPHS)
    pooled = sums / jnp.maximum(counts, 1.0)
    # dropout == 0 -> identity
    out = pooled @ W_lin + b_lin
    return out

if __name__ == "__main__":
    import jax
    _d = setup_inputs()
    print(jax.jit(kernel)(*tuple(_d.values())))

</pallas_src>

<mosaic_0001>
#map = affine_map<(d0, d1) -> (0)>
module attributes {stable_mosaic.version = 14 : i64} {
  func.func @_edge_cnt_body(%arg0: i32, %arg1: i32, %arg2: memref<640000xi32, #tpu.memory_space<hbm>>, %arg3: memref<10000xi32, #tpu.memory_space<hbm>>, %arg4: memref<2560000xf32, #tpu.memory_space<hbm>>, %arg5: memref<10000xi32, #tpu.memory_space<vmem>>, %arg6: memref<10000xi32, #tpu.memory_space<vmem>>, %arg7: memref<10000xi32, #tpu.memory_space<vmem>>, %arg8: memref<80xi32, #tpu.memory_space<vmem>>, %arg9: memref<80xi32, #tpu.memory_space<vmem>>, %arg10: memref<80xf32, #tpu.memory_space<vmem>>, %arg11: memref<10000xf32, #tpu.memory_space<vmem>>, %arg12: memref<1280000xf32, #tpu.memory_space<vmem_shared>>, %arg13: memref<!tpu.dma_semaphore, #tpu.memory_space<semaphore_mem>>, %arg14: memref<!tpu.dma_semaphore, #tpu.memory_space<semaphore_mem>>, %arg15: memref<!tpu.dma_semaphore, #tpu.memory_space<semaphore_mem>>) attributes {dimension_semantics = [#tpu.dimension_semantics<core_parallel>, #tpu.dimension_semantics<subcore_parallel>], iteration_bounds = array<i64: 2, 16>, scalar_prefetch = 0 : i64, scratch_operands = 11 : i64, tpu.core_type = #tpu.core_type<sc_vector_subcore>, window_params = [{transform_indices = #map}, {transform_indices = #map}, {transform_indices = #map}]} {
    %mul3A = arith.constant 16 : i32
    %mul3A_0 = arith.muli %arg0, %mul3A : i32
    %add3A = arith.addi %mul3A_0, %arg1 : i32
    "tpu.region"() ({
      %run_scoped3A = tpu.sem_alloc : memref<!tpu.dma_semaphore, #tpu.memory_space<semaphore_mem>>
      tpu.enqueue_dma source(%arg3 : memref<10000xi32, #tpu.memory_space<hbm>>) target(%arg5 : memref<10000xi32, #tpu.memory_space<vmem>>) target_semaphore(%run_scoped3A : memref<!tpu.dma_semaphore, #tpu.memory_space<semaphore_mem>>)
      tpu.wait_dma2 semaphore(%run_scoped3A : memref<!tpu.dma_semaphore, #tpu.memory_space<semaphore_mem>>) src(%arg3 : memref<10000xi32, #tpu.memory_space<hbm>>) dst(%arg5 : memref<10000xi32, #tpu.memory_space<vmem>>)
      tpu.yield
    }) : () -> ()
    %mul3A_1 = arith.constant 10000 : i32
    %mul3A_2 = arith.muli %add3A, %mul3A_1 : i32
    "tpu.region"() ({
      %run_scoped3A = tpu.sem_alloc : memref<!tpu.dma_semaphore, #tpu.memory_space<semaphore_mem>>
      %dma_start3A_292 = tpu.memref_slice %arg2[%mul3A_2] : memref<640000xi32, #tpu.memory_space<hbm>> -> memref<10000xi32, #tpu.memory_space<hbm>>
      %dma_start3A_293 = tpu.memref_slice %arg2[%mul3A_2] : memref<640000xi32, #tpu.memory_space<hbm>> -> memref<10000xi32, #tpu.memory_space<hbm>>
      tpu.enqueue_dma source(%dma_start3A_293 : memref<10000xi32, #tpu.memory_space<hbm>>) target(%arg6 : memref<10000xi32, #tpu.memory_space<vmem>>) target_semaphore(%run_scoped3A : memref<!tpu.dma_semaphore, #tpu.memory_space<semaphore_mem>>)
      %dma_wait3A_294 = tpu.memref_slice %arg2[%mul3A_2] : memref<640000xi32, #tpu.memory_space<hbm>> -> memref<10000xi32, #tpu.memory_space<hbm>>
      %dma_wait3A_295 = tpu.memref_slice %arg2[%mul3A_2] : memref<640000xi32, #tpu.memory_space<hbm>> -> memref<10000xi32, #tpu.memory_space<hbm>>
      tpu.wait_dma2 semaphore(%run_scoped3A : memref<!tpu.dma_semaphore, #tpu.memory_space<semaphore_mem>>) src(%dma_wait3A_295 : memref<10000xi32, #tpu.memory_space<hbm>>) dst(%arg6 : memref<10000xi32, #tpu.memory_space<vmem>>)
      tpu.yield
    }) : () -> ()
    %mul3A_3 = arith.constant 10000 : i32
    %mul3A_4 = arith.muli %add3A, %mul3A_3 : i32
    %add3A_5 = arith.constant 320000 : i32
    %add3A_6 = arith.addi %add3A_5, %mul3A_4 : i32
    "tpu.region"() ({
      %run_scoped3A = tpu.sem_alloc : memref<!tpu.dma_semaphore, #tpu.memory_space<semaphore_mem>>
      %dma_start3A_292 = tpu.memref_slice %arg2[%add3A_6] : memref<640000xi32, #tpu.memory_space<hbm>> -> memref<10000xi32, #tpu.memory_space<hbm>>
      %dma_start3A_293 = tpu.memref_slice %arg2[%add3A_6] : memref<640000xi32, #tpu.memory_space<hbm>> -> memref<10000xi32, #tpu.memory_space<hbm>>
      tpu.enqueue_dma source(%dma_start3A_293 : memref<10000xi32, #tpu.memory_space<hbm>>) target(%arg7 : memref<10000xi32, #tpu.memory_space<vmem>>) target_semaphore(%run_scoped3A : memref<!tpu.dma_semaphore, #tpu.memory_space<semaphore_mem>>)
      %dma_wait3A_294 = tpu.memref_slice %arg2[%add3A_6] : memref<640000xi32, #tpu.memory_space<hbm>> -> memref<10000xi32, #tpu.memory_space<hbm>>
      %dma_wait3A_295 = tpu.memref_slice %arg2[%add3A_6] : memref<640000xi32, #tpu.memory_space<hbm>> -> memref<10000xi32, #tpu.memory_space<hbm>>
      tpu.wait_dma2 semaphore(%run_scoped3A : memref<!tpu.dma_semaphore, #tpu.memory_space<semaphore_mem>>) src(%dma_wait3A_295 : memref<10000xi32, #tpu.memory_space<hbm>>) dst(%arg7 : memref<10000xi32, #tpu.memory_space<vmem>>)
      tpu.yield
    }) : () -> ()
    %scan3A = arith.constant 0 : i32
    %scan3A_7 = arith.constant 0 : i32
    %scan3A_8 = arith.constant 625 : i32
    %scan3A_9 = arith.addi %scan3A_7, %scan3A_8 : i32
    %scan3A_10 = arith.constant 1 : i32
    scf.for %scan3A_292 = %scan3A_7 to %scan3A_9 step %scan3A_10  : i32 {
      %broadcast_in_dim3A_293 = arith.constant 0.000000e+00 : f32
      %broadcast_in_dim3A_294 = vector.broadcast %broadcast_in_dim3A_293 : f32 to vector<16xf32>
      %mul3A_295 = arith.constant 16 : i32
      %mul3A_296 = arith.muli %mul3A_295, %scan3A_292 : i32
      %swap3A_297 = arith.index_cast %mul3A_296 : i32 to index
      %swap3A_298 = tpu.vector_load %arg11[%swap3A_297] {strides = array<i32>} : memref<10000xf32, #tpu.memory_space<vmem>>, vector<16xf32>,
      tpu.vector_store %arg11[%swap3A_297], %broadcast_in_dim3A_294 {strides = array<i32>} : memref<10000xf32, #tpu.memory_space<vmem>>, vector<16xf32>,
    }
    %scan3A_11 = arith.constant 625 : i32
    %broadcast_in_dim3A = arith.constant 1.000000e+00 : f32
    %broadcast_in_dim3A_12 = vector.broadcast %broadcast_in_dim3A : f32 to vector<16xf32>
    %swap3A = arith.constant 0 : index
    %swap3A_13 = tpu.vector_load %arg10[%swap3A] {strides = array<i32>} : memref<80xf32, #tpu.memory_space<vmem>>, vector<16xf32>,
    tpu.vector_store %arg10[%swap3A], %broadcast_in_dim3A_12 {strides = array<i32>} : memref<80xf32, #tpu.memory_space<vmem>>, vector<16xf32>,
    %broadcast_in_dim3A_14 = arith.constant 1.000000e+00 : f32
    %broadcast_in_dim3A_15 = vector.broadcast %broadcast_in_dim3A_14 : f32 to vector<16xf32>
    %swap3A_16 = arith.constant 16 : index
    %swap3A_17 = tpu.vector_load %arg10[%swap3A_16] {strides = array<i32>} : memref<80xf32, #tpu.memory_space<vmem>>, vector<16xf32>,
    tpu.vector_store %arg10[%swap3A_16], %broadcast_in_dim3A_15 {strides = array<i32>} : memref<80xf32, #tpu.memory_space<vmem>>, vector<16xf32>,
    %broadcast_in_dim3A_18 = arith.constant 1.000000e+00 : f32
    %broadcast_in_dim3A_19 = vector.broadcast %broadcast_in_dim3A_18 : f32 to vector<16xf32>
    %swap3A_20 = arith.constant 32 : index
    %swap3A_21 = tpu.vector_load %arg10[%swap3A_20] {strides = array<i32>} : memref<80xf32, #tpu.memory_space<vmem>>, vector<16xf32>,
    tpu.vector_store %arg10[%swap3A_20], %broadcast_in_dim3A_19 {strides = array<i32>} : memref<80xf32, #tpu.memory_space<vmem>>, vector<16xf32>,
    %broadcast_in_dim3A_22 = arith.constant 1.000000e+00 : f32
    %broadcast_in_dim3A_23 = vector.broadcast %broadcast_in_dim3A_22 : f32 to vector<16xf32>
    %swap3A_24 = arith.constant 48 : index
    %swap3A_25 = tpu.vector_load %arg10[%swap3A_24] {strides = array<i32>} : memref<80xf32, #tpu.memory_space<vmem>>, vector<16xf32>,
    tpu.vector_store %arg10[%swap3A_24], %broadcast_in_dim3A_23 {strides = array<i32>} : memref<80xf32, #tpu.memory_space<vmem>>, vector<16xf32>,
    %broadcast_in_dim3A_26 = arith.constant 1.000000e+00 : f32
    %broadcast_in_dim3A_27 = vector.broadcast %broadcast_in_dim3A_26 : f32 to vector<16xf32>
    %swap3A_28 = arith.constant 64 : index
    %swap3A_29 = tpu.vector_load %arg10[%swap3A_28] {strides = array<i32>} : memref<80xf32, #tpu.memory_space<vmem>>, vector<16xf32>,
    tpu.vector_store %arg10[%swap3A_28], %broadcast_in_dim3A_27 {strides = array<i32>} : memref<80xf32, #tpu.memory_space<vmem>>, vector<16xf32>,
    %mul3A_30 = arith.constant 8 : i32
    %mul3A_31 = arith.muli %arg1, %mul3A_30 : i32
    %add3A_32 = arith.constant 0 : i32
    %add3A_33 = arith.addi %mul3A_31, %add3A_32 : i32
    %mul3A_34 = arith.constant 10000 : i32
    %mul3A_35 = arith.muli %add3A_33, %mul3A_34 : i32
    %dma_start3A = tpu.memref_slice %arg12[%mul3A_35] : memref<1280000xf32, #tpu.memory_space<vmem_shared>> -> memref<10000xf32, #tpu.memory_space<vmem_shared>>
    %dma_start3A_36 = tpu.memref_slice %arg12[%mul3A_35] : memref<1280000xf32, #tpu.memory_space<vmem_shared>> -> memref<10000xf32, #tpu.memory_space<vmem_shared>>
    tpu.enqueue_dma source(%arg11 : memref<10000xf32, #tpu.memory_space<vmem>>) target(%dma_start3A_36 : memref<10000xf32, #tpu.memory_space<vmem_shared>>) target_semaphore(%arg15 : memref<!tpu.dma_semaphore, #tpu.memory_space<semaphore_mem>>)
    %mul3A_37 = arith.constant 8 : i32
    %mul3A_38 = arith.muli %arg1, %mul3A_37 : i32
    %add3A_39 = arith.constant 1 : i32
    %add3A_40 = arith.addi %mul3A_38, %add3A_39 : i32
    %mul3A_41 = arith.constant 10000 : i32
    %mul3A_42 = arith.muli %add3A_40, %mul3A_41 : i32
    %dma_start3A_43 = tpu.memref_slice %arg12[%mul3A_42] : memref<1280000xf32, #tpu.memory_space<vmem_shared>> -> memref<10000xf32, #tpu.memory_space<vmem_shared>>
    %dma_start3A_44 = tpu.memref_slice %arg12[%mul3A_42] : memref<1280000xf32, #tpu.memory_space<vmem_shared>> -> memref<10000xf32, #tpu.memory_space<vmem_shared>>
    tpu.enqueue_dma source(%arg11 : memref<10000xf32, #tpu.memory_space<vmem>>) target(%dma_start3A_44 : memref<10000xf32, #tpu.memory_space<vmem_shared>>) target_semaphore(%arg15 : memref<!tpu.dma_semaphore, #tpu.memory_space<semaphore_mem>>)
    %mul3A_45 = arith.constant 8 : i32
    %mul3A_46 = arith.muli %arg1, %mul3A_45 : i32
    %add3A_47 = arith.constant 2 : i32
    %add3A_48 = arith.addi %mul3A_46, %add3A_47 : i32
    %mul3A_49 = arith.constant 10000 : i32
    %mul3A_50 = arith.muli %add3A_48, %mul3A_49 : i32
    %dma_start3A_51 = tpu.memref_slice %arg12[%mul3A_50] : memref<1280000xf32, #tpu.memory_space<vmem_shared>> -> memref<10000xf32, #tpu.memory_space<vmem_shared>>
    %dma_start3A_52 = tpu.memref_slice %arg12[%mul3A_50] : memref<1280000xf32, #tpu.memory_space<vmem_shared>> -> memref<10000xf32, #tpu.memory_space<vmem_shared>>
    tpu.enqueue_dma source(%arg11 : memref<10000xf32, #tpu.memory_space<vmem>>) target(%dma_start3A_52 : memref<10000xf32, #tpu.memory_space<vmem_shared>>) target_semaphore(%arg15 : memref<!tpu.dma_semaphore, #tpu.memory_space<semaphore_mem>>)
    %mul3A_53 = arith.constant 8 : i32
    %mul3A_54 = arith.muli %arg1, %mul3A_53 : i32
    %add3A_55 = arith.constant 3 : i32
    %add3A_56 = arith.addi %mul3A_54, %add3A_55 : i32
    %mul3A_57 = arith.constant 10000 : i32
    %mul3A_58 = arith.muli %add3A_56, %mul3A_57 : i32
    %dma_start3A_59 = tpu.memref_slice %arg12[%mul3A_58] : memref<1280000xf32, #tpu.memory_space<vmem_shared>> -> memref<10000xf32, #tpu.memory_space<vmem_shared>>
    %dma_start3A_60 = tpu.memref_slice %arg12[%mul3A_58] : memref<1280000xf32, #tpu.memory_space<vmem_shared>> -> memref<10000xf32, #tpu.memory_space<vmem_shared>>
    tpu.enqueue_dma source(%arg11 : memref<10000xf32, #tpu.memory_space<vmem>>) target(%dma_start3A_60 : memref<10000xf32, #tpu.memory_space<vmem_shared>>) target_semaphore(%arg15 : memref<!tpu.dma_semaphore, #tpu.memory_space<semaphore_mem>>)
    %mul3A_61 = arith.constant 8 : i32
    %mul3A_62 = arith.muli %arg1, %mul3A_61 : i32
    %add3A_63 = arith.constant 4 : i32
    %add3A_64 = arith.addi %mul3A_62, %add3A_63 : i32
    %mul3A_65 = arith.constant 10000 : i32
    %mul3A_66 = arith.muli %add3A_64, %mul3A_65 : i32
    %dma_start3A_67 = tpu.memref_slice %arg12[%mul3A_66] : memref<1280000xf32, #tpu.memory_space<vmem_shared>> -> memref<10000xf32, #tpu.memory_space<vmem_shared>>
    %dma_start3A_68 = tpu.memref_slice %arg12[%mul3A_66] : memref<1280000xf32, #tpu.memory_space<vmem_shared>> -> memref<10000xf32, #tpu.memory_space<vmem_shared>>
    tpu.enqueue_dma source(%arg11 : memref<10000xf32, #tpu.memory_space<vmem>>) target(%dma_start3A_68 : memref<10000xf32, #tpu.memory_space<vmem_shared>>) target_semaphore(%arg15 : memref<!tpu.dma_semaphore, #tpu.memory_space<semaphore_mem>>)
    %mul3A_69 = arith.constant 8 : i32
    %mul3A_70 = arith.muli %arg1, %mul3A_69 : i32
    %add3A_71 = arith.constant 5 : i32
    %add3A_72 = arith.addi %mul3A_70, %add3A_71 : i32
    %mul3A_73 = arith.constant 10000 : i32
    %mul3A_74 = arith.muli %add3A_72, %mul3A_73 : i32
    %dma_start3A_75 = tpu.memref_slice %arg12[%mul3A_74] : memref<1280000xf32, #tpu.memory_space<vmem_shared>> -> memref<10000xf32, #tpu.memory_space<vmem_shared>>
    %dma_start3A_76 = tpu.memref_slice %arg12[%mul3A_74] : memref<1280000xf32, #tpu.memory_space<vmem_shared>> -> memref<10000xf32, #tpu.memory_space<vmem_shared>>
    tpu.enqueue_dma source(%arg11 : memref<10000xf32, #tpu.memory_space<vmem>>) target(%dma_start3A_76 : memref<10000xf32, #tpu.memory_space<vmem_shared>>) target_semaphore(%arg15 : memref<!tpu.dma_semaphore, #tpu.memory_space<semaphore_mem>>)
    %mul3A_77 = arith.constant 8 : i32
    %mul3A_78 = arith.muli %arg1, %mul3A_77 : i32
    %add3A_79 = arith.constant 6 : i32
    %add3A_80 = arith.addi %mul3A_78, %add3A_79 : i32
    %mul3A_81 = arith.constant 10000 : i32
    %mul3A_82 = arith.muli %add3A_80, %mul3A_81 : i32
    %dma_start3A_83 = tpu.memref_slice %arg12[%mul3A_82] : memref<1280000xf32, #tpu.memory_space<vmem_shared>> -> memref<10000xf32, #tpu.memory_space<vmem_shared>>
    %dma_start3A_84 = tpu.memref_slice %arg12[%mul3A_82] : memref<1280000xf32, #tpu.memory_space<vmem_shared>> -> memref<10000xf32, #tpu.memory_space<vmem_shared>>
    tpu.enqueue_dma source(%arg11 : memref<10000xf32, #tpu.memory_space<vmem>>) target(%dma_start3A_84 : memref<10000xf32, #tpu.memory_space<vmem_shared>>) target_semaphore(%arg15 : memref<!tpu.dma_semaphore, #tpu.memory_space<semaphore_mem>>)
    %mul3A_85 = arith.constant 8 : i32
    %mul3A_86 = arith.muli %arg1, %mul3A_85 : i32
    %add3A_87 = arith.constant 7 : i32
    %add3A_88 = arith.addi %mul3A_86, %add3A_87 : i32
    %mul3A_89 = arith.constant 10000 : i32
    %mul3A_90 = arith.muli %add3A_88, %mul3A_89 : i32
    %dma_start3A_91 = tpu.memref_slice %arg12[%mul3A_90] : memref<1280000xf32, #tpu.memory_space<vmem_shared>> -> memref<10000xf32, #tpu.memory_space<vmem_shared>>
    %dma_start3A_92 = tpu.memref_slice %arg12[%mul3A_90] : memref<1280000xf32, #tpu.memory_space<vmem_shared>> -> memref<10000xf32, #tpu.memory_space<vmem_shared>>
    tpu.enqueue_dma source(%arg11 : memref<10000xf32, #tpu.memory_space<vmem>>) target(%dma_start3A_92 : memref<10000xf32, #tpu.memory_space<vmem_shared>>) target_semaphore(%arg15 : memref<!tpu.dma_semaphore, #tpu.memory_space<semaphore_mem>>)
    %mul3A_93 = arith.constant 8 : i32
    %mul3A_94 = arith.muli %arg1, %mul3A_93 : i32
    %add3A_95 = arith.constant 0 : i32
    %add3A_96 = arith.addi %mul3A_94, %add3A_95 : i32
    %mul3A_97 = arith.constant 10000 : i32
    %mul3A_98 = arith.muli %add3A_96, %mul3A_97 : i32
    %dma_wait3A = tpu.memref_slice %arg12[%mul3A_98] : memref<1280000xf32, #tpu.memory_space<vmem_shared>> -> memref<10000xf32, #tpu.memory_space<vmem_shared>>
    %dma_wait3A_99 = tpu.memref_slice %arg12[%mul3A_98] : memref<1280000xf32, #tpu.memory_space<vmem_shared>> -> memref<10000xf32, #tpu.memory_space<vmem_shared>>
    tpu.wait_dma2 semaphore(%arg15 : memref<!tpu.dma_semaphore, #tpu.memory_space<semaphore_mem>>) src(%arg11 : memref<10000xf32, #tpu.memory_space<vmem>>) dst(%dma_wait3A_99 : memref<10000xf32, #tpu.memory_space<vmem_shared>>)
    %mul3A_100 = arith.constant 8 : i32
    %mul3A_101 = arith.muli %arg1, %mul3A_100 : i32
    %add3A_102 = arith.constant 1 : i32
    %add3A_103 = arith.addi %mul3A_101, %add3A_102 : i32
    %mul3A_104 = arith.constant 10000 : i32
    %mul3A_105 = arith.muli %add3A_103, %mul3A_104 : i32
    %dma_wait3A_106 = tpu.memref_slice %arg12[%mul3A_105] : memref<1280000xf32, #tpu.memory_space<vmem_shared>> -> memref<10000xf32, #tpu.memory_space<vmem_shared>>
    %dma_wait3A_107 = tpu.memref_slice %arg12[%mul3A_105] : memref<1280000xf32, #tpu.memory_space<vmem_shared>> -> memref<10000xf32, #tpu.memory_space<vmem_shared>>
    tpu.wait_dma2 semaphore(%arg15 : memref<!tpu.dma_semaphore, #tpu.memory_space<semaphore_mem>>) src(%arg11 : memref<10000xf32, #tpu.memory_space<vmem>>) dst(%dma_wait3A_107 : memref<10000xf32, #tpu.memory_space<vmem_shared>>)
    %mul3A_108 = arith.constant 8 : i32
    %mul3A_109 = arith.muli %arg1, %mul3A_108 : i32
    %add3A_110 = arith.constant 2 : i32
    %add3A_111 = arith.addi %mul3A_109, %add3A_110 : i32
    %mul3A_112 = arith.constant 10000 : i32
    %mul3A_113 = arith.muli %add3A_111, %mul3A_112 : i32
    %dma_wait3A_114 = tpu.memref_slice %arg12[%mul3A_113] : memref<1280000xf32, #tpu.memory_space<vmem_shared>> -> memref<10000xf32, #tpu.memory_space<vmem_shared>>
    %dma_wait3A_115 = tpu.memref_slice %arg12[%mul3A_113] : memref<1280000xf32, #tpu.memory_space<vmem_shared>> -> memref<10000xf32, #tpu.memory_space<vmem_shared>>
    tpu.wait_dma2 semaphore(%arg15 : memref<!tpu.dma_semaphore, #tpu.memory_space<semaphore_mem>>) src(%arg11 : memref<10000xf32, #tpu.memory_space<vmem>>) dst(%dma_wait3A_115 : memref<10000xf32, #tpu.memory_space<vmem_shared>>)
    %mul3A_116 = arith.constant 8 : i32
    %mul3A_117 = arith.muli %arg1, %mul3A_116 : i32
    %add3A_118 = arith.constant 3 : i32
    %add3A_119 = arith.addi %mul3A_117, %add3A_118 : i32
    %mul3A_120 = arith.constant 10000 : i32
    %mul3A_121 = arith.muli %add3A_119, %mul3A_120 : i32
    %dma_wait3A_122 = tpu.memref_slice %arg12[%mul3A_121] : memref<1280000xf32, #tpu.memory_space<vmem_shared>> -> memref<10000xf32, #tpu.memory_space<vmem_shared>>
    %dma_wait3A_123 = tpu.memref_slice %arg12[%mul3A_121] : memref<1280000xf32, #tpu.memory_space<vmem_shared>> -> memref<10000xf32, #tpu.memory_space<vmem_shared>>
    tpu.wait_dma2 semaphore(%arg15 : memref<!tpu.dma_semaphore, #tpu.memory_space<semaphore_mem>>) src(%arg11 : memref<10000xf32, #tpu.memory_space<vmem>>) dst(%dma_wait3A_123 : memref<10000xf32, #tpu.memory_space<vmem_shared>>)
    %mul3A_124 = arith.constant 8 : i32
    %mul3A_125 = arith.muli %arg1, %mul3A_124 : i32
    %add3A_126 = arith.constant 4 : i32
    %add3A_127 = arith.addi %mul3A_125, %add3A_126 : i32
    %mul3A_128 = arith.constant 10000 : i32
    %mul3A_129 = arith.muli %add3A_127, %mul3A_128 : i32
    %dma_wait3A_130 = tpu.memref_slice %arg12[%mul3A_129] : memref<1280000xf32, #tpu.memory_space<vmem_shared>> -> memref<10000xf32, #tpu.memory_space<vmem_shared>>
    %dma_wait3A_131 = tpu.memref_slice %arg12[%mul3A_129] : memref<1280000xf32, #tpu.memory_space<vmem_shared>> -> memref<10000xf32, #tpu.memory_space<vmem_shared>>
    tpu.wait_dma2 semaphore(%arg15 : memref<!tpu.dma_semaphore, #tpu.memory_space<semaphore_mem>>) src(%arg11 : memref<10000xf32, #tpu.memory_space<vmem>>) dst(%dma_wait3A_131 : memref<10000xf32, #tpu.memory_space<vmem_shared>>)
    %mul3A_132 = arith.constant 8 : i32
    %mul3A_133 = arith.muli %arg1, %mul3A_132 : i32
    %add3A_134 = arith.constant 5 : i32
    %add3A_135 = arith.addi %mul3A_133, %add3A_134 : i32
    %mul3A_136 = arith.constant 10000 : i32
    %mul3A_137 = arith.muli %add3A_135, %mul3A_136 : i32
    %dma_wait3A_138 = tpu.memref_slice %arg12[%mul3A_137] : memref<1280000xf32, #tpu.memory_space<vmem_shared>> -> memref<10000xf32, #tpu.memory_space<vmem_shared>>
    %dma_wait3A_139 = tpu.memref_slice %arg12[%mul3A_137] : memref<1280000xf32, #tpu.memory_space<vmem_shared>> -> memref<10000xf32, #tpu.memory_space<vmem_shared>>
    tpu.wait_dma2 semaphore(%arg15 : memref<!tpu.dma_semaphore, #tpu.memory_space<semaphore_mem>>) src(%arg11 : memref<10000xf32, #tpu.memory_space<vmem>>) dst(%dma_wait3A_139 : memref<10000xf32, #tpu.memory_space<vmem_shared>>)
    %mul3A_140 = arith.constant 8 : i32
    %mul3A_141 = arith.muli %arg1, %mul3A_140 : i32
    %add3A_142 = arith.constant 6 : i32
    %add3A_143 = arith.addi %mul3A_141, %add3A_142 : i32
    %mul3A_144 = arith.constant 10000 : i32
    %mul3A_145 = arith.muli %add3A_143, %mul3A_144 : i32
    %dma_wait3A_146 = tpu.memref_slice %arg12[%mul3A_145] : memref<1280000xf32, #tpu.memory_space<vmem_shared>> -> memref<10000xf32, #tpu.memory_space<vmem_shared>>
    %dma_wait3A_147 = tpu.memref_slice %arg12[%mul3A_145] : memref<1280000xf32, #tpu.memory_space<vmem_shared>> -> memref<10000xf32, #tpu.memory_space<vmem_shared>>
    tpu.wait_dma2 semaphore(%arg15 : memref<!tpu.dma_semaphore, #tpu.memory_space<semaphore_mem>>) src(%arg11 : memref<10000xf32, #tpu.memory_space<vmem>>) dst(%dma_wait3A_147 : memref<10000xf32, #tpu.memory_space<vmem_shared>>)
    %mul3A_148 = arith.constant 8 : i32
    %mul3A_149 = arith.muli %arg1, %mul3A_148 : i32
    %add3A_150 = arith.constant 7 : i32
    %add3A_151 = arith.addi %mul3A_149, %add3A_150 : i32
    %mul3A_152 = arith.constant 10000 : i32
    %mul3A_153 = arith.muli %add3A_151, %mul3A_152 : i32
    %dma_wait3A_154 = tpu.memref_slice %arg12[%mul3A_153] : memref<1280000xf32, #tpu.memory_space<vmem_shared>> -> memref<10000xf32, #tpu.memory_space<vmem_shared>>
    %dma_wait3A_155 = tpu.memref_slice %arg12[%mul3A_153] : memref<1280000xf32, #tpu.memory_space<vmem_shared>> -> memref<10000xf32, #tpu.memory_space<vmem_shared>>
    tpu.wait_dma2 semaphore(%arg15 : memref<!tpu.dma_semaphore, #tpu.memory_space<semaphore_mem>>) src(%arg11 : memref<10000xf32, #tpu.memory_space<vmem>>) dst(%dma_wait3A_155 : memref<10000xf32, #tpu.memory_space<vmem_shared>>)
    %barrier3A = arith.constant 0 : index
    tpu.barrier barrier_id(%barrier3A)
    %get3A = arith.constant 0 : index
    %get3A_156 = tpu.vector_load %arg7[%get3A] {strides = array<i32>} : memref<10000xi32, #tpu.memory_space<vmem>>, vector<16xi32>,
    %gather3A = tpu.vector_load_idx %arg5[%get3A_156] : memref<10000xi32, #tpu.memory_space<vmem>>[vector<16xi32>], vector<16xi32>,
    %get3A_157 = arith.constant 0 : index
    %get3A_158 = tpu.vector_load %arg6[%get3A_157] {strides = array<i32>} : memref<10000xi32, #tpu.memory_space<vmem>>, vector<16xi32>,
    %mul3A_159 = arith.constant 10000 : i32
    %mul3A_160 = vector.broadcast %mul3A_159 : i32 to vector<16xi32>
    %mul3A_161 = arith.muli %gather3A, %mul3A_160 : vector<16xi32>
    %add3A_162 = arith.addi %mul3A_161, %get3A_158 : vector<16xi32>
    %swap3A_163 = arith.constant 0 : index
    %swap3A_164 = tpu.vector_load %arg8[%swap3A_163] {strides = array<i32>} : memref<80xi32, #tpu.memory_space<vmem>>, vector<16xi32>,
    tpu.vector_store %arg8[%swap3A_163], %add3A_162 {strides = array<i32>} : memref<80xi32, #tpu.memory_space<vmem>>, vector<16xi32>,
    %get3A_165 = arith.constant 16 : index
    %get3A_166 = tpu.vector_load %arg7[%get3A_165] {strides = array<i32>} : memref<10000xi32, #tpu.memory_space<vmem>>, vector<16xi32>,
    %gather3A_167 = tpu.vector_load_idx %arg5[%get3A_166] : memref<10000xi32, #tpu.memory_space<vmem>>[vector<16xi32>], vector<16xi32>,
    %get3A_168 = arith.constant 16 : index
    %get3A_169 = tpu.vector_load %arg6[%get3A_168] {strides = array<i32>} : memref<10000xi32, #tpu.memory_space<vmem>>, vector<16xi32>,
    %mul3A_170 = arith.constant 10000 : i32
    %mul3A_171 = vector.broadcast %mul3A_170 : i32 to vector<16xi32>
    %mul3A_172 = arith.muli %gather3A_167, %mul3A_171 : vector<16xi32>
    %add3A_173 = arith.addi %mul3A_172, %get3A_169 : vector<16xi32>
    %swap3A_174 = arith.constant 16 : index
    %swap3A_175 = tpu.vector_load %arg8[%swap3A_174] {strides = array<i32>} : memref<80xi32, #tpu.memory_space<vmem>>, vector<16xi32>,
    tpu.vector_store %arg8[%swap3A_174], %add3A_173 {strides = array<i32>} : memref<80xi32, #tpu.memory_space<vmem>>, vector<16xi32>,
    %get3A_176 = arith.constant 32 : index
    %get3A_177 = tpu.vector_load %arg7[%get3A_176] {strides = array<i32>} : memref<10000xi32, #tpu.memory_space<vmem>>, vector<16xi32>,
    %gather3A_178 = tpu.vector_load_idx %arg5[%get3A_177] : memref<10000xi32, #tpu.memory_space<vmem>>[vector<16xi32>], vector<16xi32>,
    %get3A_179 = arith.constant 32 : index
    %get3A_180 = tpu.vector_load %arg6[%get3A_179] {strides = array<i32>} : memref<10000xi32, #tpu.memory_space<vmem>>, vector<16xi32>,
    %mul3A_181 = arith.constant 10000 : i32
    %mul3A_182 = vector.broadcast %mul3A_181 : i32 to vector<16xi32>
    %mul3A_183 = arith.muli %gather3A_178, %mul3A_182 : vector<16xi32>
    %add3A_184 = arith.addi %mul3A_183, %get3A_180 : vector<16xi32>
    %swap3A_185 = arith.constant 32 : index
    %swap3A_186 = tpu.vector_load %arg8[%swap3A_185] {strides = array<i32>} : memref<80xi32, #tpu.memory_space<vmem>>, vector<16xi32>,
    tpu.vector_store %arg8[%swap3A_185], %add3A_184 {strides = array<i32>} : memref<80xi32, #tpu.memory_space<vmem>>, vector<16xi32>,
    %get3A_187 = arith.constant 48 : index
    %get3A_188 = tpu.vector_load %arg7[%get3A_187] {strides = array<i32>} : memref<10000xi32, #tpu.memory_space<vmem>>, vector<16xi32>,
    %gather3A_189 = tpu.vector_load_idx %arg5[%get3A_188] : memref<10000xi32, #tpu.memory_space<vmem>>[vector<16xi32>], vector<16xi32>,
    %get3A_190 = arith.constant 48 : index
    %get3A_191 = tpu.vector_load %arg6[%get3A_190] {strides = array<i32>} : memref<10000xi32, #tpu.memory_space<vmem>>, vector<16xi32>,
    %mul3A_192 = arith.constant 10000 : i32
    %mul3A_193 = vector.broadcast %mul3A_192 : i32 to vector<16xi32>
    %mul3A_194 = arith.muli %gather3A_189, %mul3A_193 : vector<16xi32>
    %add3A_195 = arith.addi %mul3A_194, %get3A_191 : vector<16xi32>
    %swap3A_196 = arith.constant 48 : index
    %swap3A_197 = tpu.vector_load %arg8[%swap3A_196] {strides = array<i32>} : memref<80xi32, #tpu.memory_space<vmem>>, vector<16xi32>,
    tpu.vector_store %arg8[%swap3A_196], %add3A_195 {strides = array<i32>} : memref<80xi32, #tpu.memory_space<vmem>>, vector<16xi32>,
    %get3A_198 = arith.constant 64 : index
    %get3A_199 = tpu.vector_load %arg7[%get3A_198] {strides = array<i32>} : memref<10000xi32, #tpu.memory_space<vmem>>, vector<16xi32>,
    %gather3A_200 = tpu.vector_load_idx %arg5[%get3A_199] : memref<10000xi32, #tpu.memory_space<vmem>>[vector<16xi32>], vector<16xi32>,
    %get3A_201 = arith.constant 64 : index
    %get3A_202 = tpu.vector_load %arg6[%get3A_201] {strides = array<i32>} : memref<10000xi32, #tpu.memory_space<vmem>>, vector<16xi32>,
    %mul3A_203 = arith.constant 10000 : i32
    %mul3A_204 = vector.broadcast %mul3A_203 : i32 to vector<16xi32>
    %mul3A_205 = arith.muli %gather3A_200, %mul3A_204 : vector<16xi32>
    %add3A_206 = arith.addi %mul3A_205, %get3A_202 : vector<16xi32>
    %swap3A_207 = arith.constant 64 : index
    %swap3A_208 = tpu.vector_load %arg8[%swap3A_207] {strides = array<i32>} : memref<80xi32, #tpu.memory_space<vmem>>, vector<16xi32>,
    tpu.vector_store %arg8[%swap3A_207], %add3A_206 {strides = array<i32>} : memref<80xi32, #tpu.memory_space<vmem>>, vector<16xi32>,
    %dma_start3A_209 = arith.constant 0 : i32
    %dma_start3A_210 = tpu.memref_slice %arg12[%dma_start3A_209] : memref<1280000xf32, #tpu.memory_space<vmem_shared>> -> memref<1280000xf32, #tpu.memory_space<vmem_shared>>
    tpu.enqueue_indirect_dma source(%arg10 : memref<80xf32, #tpu.memory_space<vmem>>) target(%dma_start3A_210 : memref<1280000xf32, #tpu.memory_space<vmem_shared>>) offsets(%arg8 : memref<80xi32, #tpu.memory_space<vmem>>) semaphore(%arg13 : memref<!tpu.dma_semaphore, #tpu.memory_space<semaphore_mem>>) {add = true}
    %get3A_211 = arith.constant 80 : index
    %get3A_212 = tpu.vector_load %arg7[%get3A_211] {strides = array<i32>} : memref<10000xi32, #tpu.memory_space<vmem>>, vector<16xi32>,
    %gather3A_213 = tpu.vector_load_idx %arg5[%get3A_212] : memref<10000xi32, #tpu.memory_space<vmem>>[vector<16xi32>], vector<16xi32>,
    %get3A_214 = arith.constant 80 : index
    %get3A_215 = tpu.vector_load %arg6[%get3A_214] {strides = array<i32>} : memref<10000xi32, #tpu.memory_space<vmem>>, vector<16xi32>,
    %mul3A_216 = arith.constant 10000 : i32
    %mul3A_217 = vector.broadcast %mul3A_216 : i32 to vector<16xi32>
    %mul3A_218 = arith.muli %gather3A_213, %mul3A_217 : vector<16xi32>
    %add3A_219 = arith.addi %mul3A_218, %get3A_215 : vector<16xi32>
    %swap3A_220 = arith.constant 0 : index
    %swap3A_221 = tpu.vector_load %arg9[%swap3A_220] {strides = array<i32>} : memref<80xi32, #tpu.memory_space<vmem>>, vector<16xi32>,
    tpu.vector_store %arg9[%swap3A_220], %add3A_219 {strides = array<i32>} : memref<80xi32, #tpu.memory_space<vmem>>, vector<16xi32>,
    %get3A_222 = arith.constant 96 : index
    %get3A_223 = tpu.vector_load %arg7[%get3A_222] {strides = array<i32>} : memref<10000xi32, #tpu.memory_space<vmem>>, vector<16xi32>,
    %gather3A_224 = tpu.vector_load_idx %arg5[%get3A_223] : memref<10000xi32, #tpu.memory_space<vmem>>[vector<16xi32>], vector<16xi32>,
    %get3A_225 = arith.constant 96 : index
    %get3A_226 = tpu.vector_load %arg6[%get3A_225] {strides = array<i32>} : memref<10000xi32, #tpu.memory_space<vmem>>, vector<16xi32>,
    %mul3A_227 = arith.constant 10000 : i32
    %mul3A_228 = vector.broadcast %mul3A_227 : i32 to vector<16xi32>
    %mul3A_229 = arith.muli %gather3A_224, %mul3A_228 : vector<16xi32>
    %add3A_230 = arith.addi %mul3A_229, %get3A_226 : vector<16xi32>
    %swap3A_231 = arith.constant 16 : index
    %swap3A_232 = tpu.vector_load %arg9[%swap3A_231] {strides = array<i32>} : memref<80xi32, #tpu.memory_space<vmem>>, vector<16xi32>,
    tpu.vector_store %arg9[%swap3A_231], %add3A_230 {strides = array<i32>} : memref<80xi32, #tpu.memory_space<vmem>>, vector<16xi32>,
    %get3A_233 = arith.constant 112 : index
    %get3A_234 = tpu.vector_load %arg7[%get3A_233] {strides = array<i32>} : memref<10000xi32, #tpu.memory_space<vmem>>, vector<16xi32>,
    %gather3A_235 = tpu.vector_load_idx %arg5[%get3A_234] : memref<10000xi32, #tpu.memory_space<vmem>>[vector<16xi32>], vector<16xi32>,
    %get3A_236 = arith.constant 112 : index
    %get3A_237 = tpu.vector_load %arg6[%get3A_236] {strides = array<i32>} : memref<10000xi32, #tpu.memory_space<vmem>>, vector<16xi32>,
    %mul3A_238 = arith.constant 10000 : i32
    %mul3A_239 = vector.broadcast %mul3A_238 : i32 to vector<16xi32>
    %mul3A_240 = arith.muli %gather3A_235, %mul3A_239 : vector<16xi32>
    %add3A_241 = arith.addi %mul3A_240, %get3A_237 : vector<16xi32>
    %swap3A_242 = arith.constant 32 : index
    %swap3A_243 = tpu.vector_load %arg9[%swap3A_242] {strides = array<i32>} : memref<80xi32, #tpu.memory_space<vmem>>, vector<16xi32>,
    tpu.vector_store %arg9[%swap3A_242], %add3A_241 {strides = array<i32>} : memref<80xi32, #tpu.memory_space<vmem>>, vector<16xi32>,
    %get3A_244 = arith.constant 128 : index
    %get3A_245 = tpu.vector_load %arg7[%get3A_244] {strides = array<i32>} : memref<10000xi32, #tpu.memory_space<vmem>>, vector<16xi32>,
    %gather3A_246 = tpu.vector_load_idx %arg5[%get3A_245] : memref<10000xi32, #tpu.memory_space<vmem>>[vector<16xi32>], vector<16xi32>,
    %get3A_247 = arith.constant 128 : index
    %get3A_248 = tpu.vector_load %arg6[%get3A_247] {strides = array<i32>} : memref<10000xi32, #tpu.memory_space<vmem>>, vector<16xi32>,
    %mul3A_249 = arith.constant 10000 : i32
    %mul3A_250 = vector.broadcast %mul3A_249 : i32 to vector<16xi32>
    %mul3A_251 = arith.muli %gather3A_246, %mul3A_250 : vector<16xi32>
    %add3A_252 = arith.addi %mul3A_251, %get3A_248 : vector<16xi32>
    %swap3A_253 = arith.constant 48 : index
    %swap3A_254 = tpu.vector_load %arg9[%swap3A_253] {strides = array<i32>} : memref<80xi32, #tpu.memory_space<vmem>>, vector<16xi32>,
    tpu.vector_store %arg9[%swap3A_253], %add3A_252 {strides = array<i32>} : memref<80xi32, #tpu.memory_space<vmem>>, vector<16xi32>,
    %get3A_255 = arith.constant 144 : index
    %get3A_256 = tpu.vector_load %arg7[%get3A_255] {strides = array<i32>} : memref<10000xi32, #tpu.memory_space<vmem>>, vector<16xi32>,
    %gather3A_257 = tpu.vector_load_idx %arg5[%get3A_256] : memref<10000xi32, #tpu.memory_space<vmem>>[vector<16xi32>], vector<16xi32>,
    %get3A_258 = arith.constant 144 : index
    %get3A_259 = tpu.vector_load %arg6[%get3A_258] {strides = array<i32>} : memref<10000xi32, #tpu.memory_space<vmem>>, vector<16xi32>,
    %mul3A_260 = arith.constant 10000 : i32
    %mul3A_261 = vector.broadcast %mul3A_260 : i32 to vector<16xi32>
    %mul3A_262 = arith.muli %gather3A_257, %mul3A_261 : vector<16xi32>
    %add3A_263 = arith.addi %mul3A_262, %get3A_259 : vector<16xi32>
    %swap3A_264 = arith.constant 64 : index
    %swap3A_265 = tpu.vector_load %arg9[%swap3A_264] {strides = array<i32>} : memref<80xi32, #tpu.memory_space<vmem>>, vector<16xi32>,
    tpu.vector_store %arg9[%swap3A_264], %add3A_263 {strides = array<i32>} : memref<80xi32, #tpu.memory_space<vmem>>, vector<16xi32>,
    %dma_start3A_266 = arith.constant 0 : i32
    %dma_start3A_267 = tpu.memref_slice %arg12[%dma_start3A_266] : memref<1280000xf32, #tpu.memory_space<vmem_shared>> -> memref<1280000xf32, #tpu.memory_space<vmem_shared>>
    tpu.enqueue_indirect_dma source(%arg10 : memref<80xf32, #tpu.memory_space<vmem>>) target(%dma_start3A_267 : memref<1280000xf32, #tpu.memory_space<vmem_shared>>) offsets(%arg9 : memref<80xi32, #tpu.memory_space<vmem>>) semaphore(%arg14 : memref<!tpu.dma_semaphore, #tpu.memory_space<semaphore_mem>>) {add = true}
    %scan3A_268 = arith.constant 0 : i32
    %scan3A_269 = arith.constant 2 : i32
    %scan3A_270 = arith.constant 123 : i32
    %scan3A_271 = arith.addi %scan3A_269, %scan3A_270 : i32
    %scan3A_272 = arith.constant 1 : i32
    scf.for %scan3A_292 = %scan3A_269 to %scan3A_271 step %scan3A_272  : i32 {
      %jit3A = arith.constant 2 : i32
      %eq3A = arith.constant 0 : i32
      %eq3A_293 = arith.cmpi eq, %jit3A, %eq3A : i32
      %jit3A_294 = arith.constant 1 : i32
      %select_n3A = arith.select %eq3A_293, %jit3A_294, %jit3A : i32
      %rem3A = arith.remsi %scan3A_292, %select_n3A : i32
      %ne3A = arith.constant 0 : i32
      %ne3A_295 = arith.cmpi ne, %rem3A, %ne3A : i32
      %lt3A = arith.constant 0 : i32
      %lt3A_296 = arith.cmpi slt, %rem3A, %lt3A : i32
      %lt3A_297 = arith.constant 0 : i32
      %lt3A_298 = arith.cmpi slt, %select_n3A, %lt3A_297 : i32
      %ne3A_299 = arith.xori %lt3A_296, %lt3A_298 : i1
      %and3A = arith.andi %ne3A_299, %ne3A_295 : i1
      %add3A_300 = arith.addi %rem3A, %select_n3A : i32
      %select_n3A_301 = arith.select %and3A, %add3A_300, %rem3A : i32
      %eq3A_302 = arith.constant 0 : i32
      %eq3A_303 = arith.cmpi eq, %select_n3A_301, %eq3A_302 : i32
      %convert_element_type3A = arith.extui %eq3A_303 : i1 to i32
      %cond3A = arith.constant 0 : i32
      %cond3A_304 = arith.cmpi ne, %convert_element_type3A, %cond3A : i32
      scf.if %cond3A_304 {
        %dma_wait3A_326 = arith.constant 0 : i32
        %dma_wait3A_327 = tpu.memref_slice %arg12[%dma_wait3A_326] : memref<1280000xf32, #tpu.memory_space<vmem_shared>> -> memref<1280000xf32, #tpu.memory_space<vmem_shared>>
        tpu.wait_indirect_dma semaphore(%arg13 : memref<!tpu.dma_semaphore, #tpu.memory_space<semaphore_mem>>) src(%arg10 : memref<80xf32, #tpu.memory_space<vmem>>) dst(%dma_wait3A_327 : memref<1280000xf32, #tpu.memory_space<vmem_shared>>)
        %mul3A_328 = arith.constant 80 : i32
        %mul3A_329 = arith.muli %scan3A_292, %mul3A_328 : i32
        %add3A_330 = arith.constant 0 : i32
        %add3A_331 = arith.addi %mul3A_329, %add3A_330 : i32
        %get3A_332 = arith.index_cast %add3A_331 : i32 to index
        %get3A_333 = tpu.vector_load %arg7[%get3A_332] {strides = array<i32>} : memref<10000xi32, #tpu.memory_space<vmem>>, vector<16xi32>,
        %gather3A_334 = tpu.vector_load_idx %arg5[%get3A_333] : memref<10000xi32, #tpu.memory_space<vmem>>[vector<16xi32>], vector<16xi32>,
        %mul3A_335 = arith.constant 80 : i32
        %mul3A_336 = arith.muli %scan3A_292, %mul3A_335 : i32
        %add3A_337 = arith.constant 0 : i32
        %add3A_338 = arith.addi %mul3A_336, %add3A_337 : i32
        %get3A_339 = arith.index_cast %add3A_338 : i32 to index
        %get3A_340 = tpu.vector_load %arg6[%get3A_339] {strides = array<i32>} : memref<10000xi32, #tpu.memory_space<vmem>>, vector<16xi32>,
        %mul3A_341 = arith.constant 10000 : i32
        %mul3A_342 = vector.broadcast %mul3A_341 : i32 to vector<16xi32>
        %mul3A_343 = arith.muli %gather3A_334, %mul3A_342 : vector<16xi32>
        %add3A_344 = arith.addi %mul3A_343, %get3A_340 : vector<16xi32>
        %swap3A_345 = arith.constant 0 : index
        %swap3A_346 = tpu.vector_load %arg8[%swap3A_345] {strides = array<i32>} : memref<80xi32, #tpu.memory_space<vmem>>, vector<16xi32>,
        tpu.vector_store %arg8[%swap3A_345], %add3A_344 {strides = array<i32>} : memref<80xi32, #tpu.memory_space<vmem>>, vector<16xi32>,
        %mul3A_347 = arith.constant 80 : i32
        %mul3A_348 = arith.muli %scan3A_292, %mul3A_347 : i32
        %add3A_349 = arith.constant 16 : i32
        %add3A_350 = arith.addi %mul3A_348, %add3A_349 : i32
        %get3A_351 = arith.index_cast %add3A_350 : i32 to index
        %get3A_352 = tpu.vector_load %arg7[%get3A_351] {strides = array<i32>} : memref<10000xi32, #tpu.memory_space<vmem>>, vector<16xi32>,
        %gather3A_353 = tpu.vector_load_idx %arg5[%get3A_352] : memref<10000xi32, #tpu.memory_space<vmem>>[vector<16xi32>], vector<16xi32>,
        %mul3A_354 = arith.constant 80 : i32
        %mul3A_355 = arith.muli %scan3A_292, %mul3A_354 : i32
        %add3A_356 = arith.constant 16 : i32
        %add3A_357 = arith.addi %mul3A_355, %add3A_356 : i32
        %get3A_358 = arith.index_cast %add3A_357 : i32 to index
        %get3A_359 = tpu.vector_load %arg6[%get3A_358] {strides = array<i32>} : memref<10000xi32, #tpu.memory_space<vmem>>, vector<16xi32>,
        %mul3A_360 = arith.constant 10000 : i32
        %mul3A_361 = vector.broadcast %mul3A_360 : i32 to vector<16xi32>
        %mul3A_362 = arith.muli %gather3A_353, %mul3A_361 : vector<16xi32>
        %add3A_363 = arith.addi %mul3A_362, %get3A_359 : vector<16xi32>
        %swap3A_364 = arith.constant 16 : index
        %swap3A_365 = tpu.vector_load %arg8[%swap3A_364] {strides = array<i32>} : memref<80xi32, #tpu.memory_space<vmem>>, vector<16xi32>,
        tpu.vector_store %arg8[%swap3A_364], %add3A_363 {strides = array<i32>} : memref<80xi32, #tpu.memory_space<vmem>>, vector<16xi32>,
        %mul3A_366 = arith.constant 80 : i32
        %mul3A_367 = arith.muli %scan3A_292, %mul3A_366 : i32
        %add3A_368 = arith.constant 32 : i32
        %add3A_369 = arith.addi %mul3A_367, %add3A_368 : i32
        %get3A_370 = arith.index_cast %add3A_369 : i32 to index
        %get3A_371 = tpu.vector_load %arg7[%get3A_370] {strides = array<i32>} : memref<10000xi32, #tpu.memory_space<vmem>>, vector<16xi32>,
        %gather3A_372 = tpu.vector_load_idx %arg5[%get3A_371] : memref<10000xi32, #tpu.memory_space<vmem>>[vector<16xi32>], vector<16xi32>,
        %mul3A_373 = arith.constant 80 : i32
        %mul3A_374 = arith.muli %scan3A_292, %mul3A_373 : i32
        %add3A_375 = arith.constant 32 : i32
        %add3A_376 = arith.addi %mul3A_374, %add3A_375 : i32
        %get3A_377 = arith.index_cast %add3A_376 : i32 to index
        %get3A_378 = tpu.vector_load %arg6[%get3A_377] {strides = array<i32>} : memref<10000xi32, #tpu.memory_space<vmem>>, vector<16xi32>,
        %mul3A_379 = arith.constant 10000 : i32
        %mul3A_380 = vector.broadcast %mul3A_379 : i32 to vector<16xi32>
        %mul3A_381 = arith.muli %gather3A_372, %mul3A_380 : vector<16xi32>
        %add3A_382 = arith.addi %mul3A_381, %get3A_378 : vector<16xi32>
        %swap3A_383 = arith.constant 32 : index
        %swap3A_384 = tpu.vector_load %arg8[%swap3A_383] {strides = array<i32>} : memref<80xi32, #tpu.memory_space<vmem>>, vector<16xi32>,
        tpu.vector_store %arg8[%swap3A_383], %add3A_382 {strides = array<i32>} : memref<80xi32, #tpu.memory_space<vmem>>, vector<16xi32>,
        %mul3A_385 = arith.constant 80 : i32
        %mul3A_386 = arith.muli %scan3A_292, %mul3A_385 : i32
        %add3A_387 = arith.constant 48 : i32
        %add3A_388 = arith.addi %mul3A_386, %add3A_387 : i32
        %get3A_389 = arith.index_cast %add3A_388 : i32 to index
        %get3A_390 = tpu.vector_load %arg7[%get3A_389] {strides = array<i32>} : memref<10000xi32, #tpu.memory_space<vmem>>, vector<16xi32>,
        %gather3A_391 = tpu.vector_load_idx %arg5[%get3A_390] : memref<10000xi32, #tpu.memory_space<vmem>>[vector<16xi32>], vector<16xi32>,
        %mul3A_392 = arith.constant 80 : i32
        %mul3A_393 = arith.muli %scan3A_292, %mul3A_392 : i32
        %add3A_394 = arith.constant 48 : i32
        %add3A_395 = arith.addi %mul3A_393, %add3A_394 : i32
        %get3A_396 = arith.index_cast %add3A_395 : i32 to index
        %get3A_397 = tpu.vector_load %arg6[%get3A_396] {strides = array<i32>} : memref<10000xi32, #tpu.memory_space<vmem>>, vector<16xi32>,
        %mul3A_398 = arith.constant 10000 : i32
        %mul3A_399 = vector.broadcast %mul3A_398 : i32 to vector<16xi32>
        %mul3A_400 = arith.muli %gather3A_391, %mul3A_399 : vector<16xi32>
        %add3A_401 = arith.addi %mul3A_400, %get3A_397 : vector<16xi32>
        %swap3A_402 = arith.constant 48 : index
        %swap3A_403 = tpu.vector_load %arg8[%swap3A_402] {strides = array<i32>} : memref<80xi32, #tpu.memory_space<vmem>>, vector<16xi32>,
        tpu.vector_store %arg8[%swap3A_402], %add3A_401 {strides = array<i32>} : memref<80xi32, #tpu.memory_space<vmem>>, vector<16xi32>,
        %mul3A_404 = arith.constant 80 : i32
        %mul3A_405 = arith.muli %scan3A_292, %mul3A_404 : i32
        %add3A_406 = arith.constant 64 : i32
        %add3A_407 = arith.addi %mul3A_405, %add3A_406 : i32
        %get3A_408 = arith.index_cast %add3A_407 : i32 to index
        %get3A_409 = tpu.vector_load %arg7[%get3A_408] {strides = array<i32>} : memref<10000xi32, #tpu.memory_space<vmem>>, vector<16xi32>,
        %gather3A_410 = tpu.vector_load_idx %arg5[%get3A_409] : memref<10000xi32, #tpu.memory_space<vmem>>[vector<16xi32>], vector<16xi32>,
        %mul3A_411 = arith.constant 80 : i32
        %mul3A_412 = arith.muli %scan3A_292, %mul3A_411 : i32
        %add3A_413 = arith.constant 64 : i32
        %add3A_414 = arith.addi %mul3A_412, %add3A_413 : i32
        %get3A_415 = arith.index_cast %add3A_414 : i32 to index
        %get3A_416 = tpu.vector_load %arg6[%get3A_415] {strides = array<i32>} : memref<10000xi32, #tpu.memory_space<vmem>>, vector<16xi32>,
        %mul3A_417 = arith.constant 10000 : i32
        %mul3A_418 = vector.broadcast %mul3A_417 : i32 to vector<16xi32>
        %mul3A_419 = arith.muli %gather3A_410, %mul3A_418 : vector<16xi32>
        %add3A_420 = arith.addi %mul3A_419, %get3A_416 : vector<16xi32>
        %swap3A_421 = arith.constant 64 : index
        %swap3A_422 = tpu.vector_load %arg8[%swap3A_421] {strides = array<i32>} : memref<80xi32, #tpu.memory_space<vmem>>, vector<16xi32>,
        tpu.vector_store %arg8[%swap3A_421], %add3A_420 {strides = array<i32>} : memref<80xi32, #tpu.memory_space<vmem>>, vector<16xi32>,
        %dma_start3A_423 = arith.constant 0 : i32
        %dma_start3A_424 = tpu.memref_slice %arg12[%dma_start3A_423] : memref<1280000xf32, #tpu.memory_space<vmem_shared>> -> memref<1280000xf32, #tpu.memory_space<vmem_shared>>
        tpu.enqueue_indirect_dma source(%arg10 : memref<80xf32, #tpu.memory_space<vmem>>) target(%dma_start3A_424 : memref<1280000xf32, #tpu.memory_space<vmem_shared>>) offsets(%arg8 : memref<80xi32, #tpu.memory_space<vmem>>) semaphore(%arg13 : memref<!tpu.dma_semaphore, #tpu.memory_space<semaphore_mem>>) {add = true}
      } else {
      }
      %jit3A_305 = arith.constant 2 : i32
      %eq3A_306 = arith.constant 0 : i32
      %eq3A_307 = arith.cmpi eq, %jit3A_305, %eq3A_306 : i32
      %jit3A_308 = arith.constant 1 : i32
      %select_n3A_309 = arith.select %eq3A_307, %jit3A_308, %jit3A_305 : i32
      %rem3A_310 = arith.remsi %scan3A_292, %select_n3A_309 : i32
      %ne3A_311 = arith.constant 0 : i32
      %ne3A_312 = arith.cmpi ne, %rem3A_310, %ne3A_311 : i32
      %lt3A_313 = arith.constant 0 : i32
      %lt3A_314 = arith.cmpi slt, %rem3A_310, %lt3A_313 : i32
      %lt3A_315 = arith.constant 0 : i32
      %lt3A_316 = arith.cmpi slt, %select_n3A_309, %lt3A_315 : i32
      %ne3A_317 = arith.xori %lt3A_314, %lt3A_316 : i1
      %and3A_318 = arith.andi %ne3A_317, %ne3A_312 : i1
      %add3A_319 = arith.addi %rem3A_310, %select_n3A_309 : i32
      %select_n3A_320 = arith.select %and3A_318, %add3A_319, %rem3A_310 : i32
      %eq3A_321 = arith.constant 1 : i32
      %eq3A_322 = arith.cmpi eq, %select_n3A_320, %eq3A_321 : i32
      %convert_element_type3A_323 = arith.extui %eq3A_322 : i1 to i32
      %cond3A_324 = arith.constant 0 : i32
      %cond3A_325 = arith.cmpi ne, %convert_element_type3A_323, %cond3A_324 : i32
      scf.if %cond3A_325 {
        %dma_wait3A_326 = arith.constant 0 : i32
        %dma_wait3A_327 = tpu.memref_slice %arg12[%dma_wait3A_326] : memref<1280000xf32, #tpu.memory_space<vmem_shared>> -> memref<1280000xf32, #tpu.memory_space<vmem_shared>>
        tpu.wait_indirect_dma semaphore(%arg14 : memref<!tpu.dma_semaphore, #tpu.memory_space<semaphore_mem>>) src(%arg10 : memref<80xf32, #tpu.memory_space<vmem>>) dst(%dma_wait3A_327 : memref<1280000xf32, #tpu.memory_space<vmem_shared>>)
        %mul3A_328 = arith.constant 80 : i32
        %mul3A_329 = arith.muli %scan3A_292, %mul3A_328 : i32
        %add3A_330 = arith.constant 0 : i32
        %add3A_331 = arith.addi %mul3A_329, %add3A_330 : i32
        %get3A_332 = arith.index_cast %add3A_331 : i32 to index
        %get3A_333 = tpu.vector_load %arg7[%get3A_332] {strides = array<i32>} : memref<10000xi32, #tpu.memory_space<vmem>>, vector<16xi32>,
        %gather3A_334 = tpu.vector_load_idx %arg5[%get3A_333] : memref<10000xi32, #tpu.memory_space<vmem>>[vector<16xi32>], vector<16xi32>,
        %mul3A_335 = arith.constant 80 : i32
        %mul3A_336 = arith.muli %scan3A_292, %mul3A_335 : i32
        %add3A_337 = arith.constant 0 : i32
        %add3A_338 = arith.addi %mul3A_336, %add3A_337 : i32
        %get3A_339 = arith.index_cast %add3A_338 : i32 to index
        %get3A_340 = tpu.vector_load %arg6[%get3A_339] {strides = array<i32>} : memref<10000xi32, #tpu.memory_space<vmem>>, vector<16xi32>,
        %mul3A_341 = arith.constant 10000 : i32
        %mul3A_342 = vector.broadcast %mul3A_341 : i32 to vector<16xi32>
        %mul3A_343 = arith.muli %gather3A_334, %mul3A_342 : vector<16xi32>
        %add3A_344 = arith.addi %mul3A_343, %get3A_340 : vector<16xi32>
        %swap3A_345 = arith.constant 0 : index
        %swap3A_346 = tpu.vector_load %arg9[%swap3A_345] {strides = array<i32>} : memref<80xi32, #tpu.memory_space<vmem>>, vector<16xi32>,
        tpu.vector_store %arg9[%swap3A_345], %add3A_344 {strides = array<i32>} : memref<80xi32, #tpu.memory_space<vmem>>, vector<16xi32>,
        %mul3A_347 = arith.constant 80 : i32
        %mul3A_348 = arith.muli %scan3A_292, %mul3A_347 : i32
        %add3A_349 = arith.constant 16 : i32
        %add3A_350 = arith.addi %mul3A_348, %add3A_349 : i32
        %get3A_351 = arith.index_cast %add3A_350 : i32 to index
        %get3A_352 = tpu.vector_load %arg7[%get3A_351] {strides = array<i32>} : memref<10000xi32, #tpu.memory_space<vmem>>, vector<16xi32>,
        %gather3A_353 = tpu.vector_load_idx %arg5[%get3A_352] : memref<10000xi32, #tpu.memory_space<vmem>>[vector<16xi32>], vector<16xi32>,
        %mul3A_354 = arith.constant 80 : i32
        %mul3A_355 = arith.muli %scan3A_292, %mul3A_354 : i32
        %add3A_356 = arith.constant 16 : i32
        %add3A_357 = arith.addi %mul3A_355, %add3A_356 : i32
        %get3A_358 = arith.index_cast %add3A_357 : i32 to index
        %get3A_359 = tpu.vector_load %arg6[%get3A_358] {strides = array<i32>} : memref<10000xi32, #tpu.memory_space<vmem>>, vector<16xi32>,
        %mul3A_360 = arith.constant 10000 : i32
        %mul3A_361 = vector.broadcast %mul3A_360 : i32 to vector<16xi32>
        %mul3A_362 = arith.muli %gather3A_353, %mul3A_361 : vector<16xi32>
        %add3A_363 = arith.addi %mul3A_362, %get3A_359 : vector<16xi32>
        %swap3A_364 = arith.constant 16 : index
        %swap3A_365 = tpu.vector_load %arg9[%swap3A_364] {strides = array<i32>} : memref<80xi32, #tpu.memory_space<vmem>>, vector<16xi32>,
        tpu.vector_store %arg9[%swap3A_364], %add3A_363 {strides = array<i32>} : memref<80xi32, #tpu.memory_space<vmem>>, vector<16xi32>,
        %mul3A_366 = arith.constant 80 : i32
        %mul3A_367 = arith.muli %scan3A_292, %mul3A_366 : i32
        %add3A_368 = arith.constant 32 : i32
        %add3A_369 = arith.addi %mul3A_367, %add3A_368 : i32
        %get3A_370 = arith.index_cast %add3A_369 : i32 to index
        %get3A_371 = tpu.vector_load %arg7[%get3A_370] {strides = array<i32>} : memref<10000xi32, #tpu.memory_space<vmem>>, vector<16xi32>,
        %gather3A_372 = tpu.vector_load_idx %arg5[%get3A_371] : memref<10000xi32, #tpu.memory_space<vmem>>[vector<16xi32>], vector<16xi32>,
        %mul3A_373 = arith.constant 80 : i32
        %mul3A_374 = arith.muli %scan3A_292, %mul3A_373 : i32
        %add3A_375 = arith.constant 32 : i32
        %add3A_376 = arith.addi %mul3A_374, %add3A_375 : i32
        %get3A_377 = arith.index_cast %add3A_376 : i32 to index
        %get3A_378 = tpu.vector_load %arg6[%get3A_377] {strides = array<i32>} : memref<10000xi32, #tpu.memory_space<vmem>>, vector<16xi32>,
        %mul3A_379 = arith.constant 10000 : i32
        %mul3A_380 = vector.broadcast %mul3A_379 : i32 to vector<16xi32>
        %mul3A_381 = arith.muli %gather3A_372, %mul3A_380 : vector<16xi32>
        %add3A_382 = arith.addi %mul3A_381, %get3A_378 : vector<16xi32>
        %swap3A_383 = arith.constant 32 : index
        %swap3A_384 = tpu.vector_load %arg9[%swap3A_383] {strides = array<i32>} : memref<80xi32, #tpu.memory_space<vmem>>, vector<16xi32>,
        tpu.vector_store %arg9[%swap3A_383], %add3A_382 {strides = array<i32>} : memref<80xi32, #tpu.memory_space<vmem>>, vector<16xi32>,
        %mul3A_385 = arith.constant 80 : i32
        %mul3A_386 = arith.muli %scan3A_292, %mul3A_385 : i32
        %add3A_387 = arith.constant 48 : i32
        %add3A_388 = arith.addi %mul3A_386, %add3A_387 : i32
        %get3A_389 = arith.index_cast %add3A_388 : i32 to index
        %get3A_390 = tpu.vector_load %arg7[%get3A_389] {strides = array<i32>} : memref<10000xi32, #tpu.memory_space<vmem>>, vector<16xi32>,
        %gather3A_391 = tpu.vector_load_idx %arg5[%get3A_390] : memref<10000xi32, #tpu.memory_space<vmem>>[vector<16xi32>], vector<16xi32>,
        %mul3A_392 = arith.constant 80 : i32
        %mul3A_393 = arith.muli %scan3A_292, %mul3A_392 : i32
        %add3A_394 = arith.constant 48 : i32
        %add3A_395 = arith.addi %mul3A_393, %add3A_394 : i32
        %get3A_396 = arith.index_cast %add3A_395 : i32 to index
        %get3A_397 = tpu.vector_load %arg6[%get3A_396] {strides = array<i32>} : memref<10000xi32, #tpu.memory_space<vmem>>, vector<16xi32>,
        %mul3A_398 = arith.constant 10000 : i32
        %mul3A_399 = vector.broadcast %mul3A_398 : i32 to vector<16xi32>
        %mul3A_400 = arith.muli %gather3A_391, %mul3A_399 : vector<16xi32>
        %add3A_401 = arith.addi %mul3A_400, %get3A_397 : vector<16xi32>
        %swap3A_402 = arith.constant 48 : index
        %swap3A_403 = tpu.vector_load %arg9[%swap3A_402] {strides = array<i32>} : memref<80xi32, #tpu.memory_space<vmem>>, vector<16xi32>,
        tpu.vector_store %arg9[%swap3A_402], %add3A_401 {strides = array<i32>} : memref<80xi32, #tpu.memory_space<vmem>>, vector<16xi32>,
        %mul3A_404 = arith.constant 80 : i32
        %mul3A_405 = arith.muli %scan3A_292, %mul3A_404 : i32
        %add3A_406 = arith.constant 64 : i32
        %add3A_407 = arith.addi %mul3A_405, %add3A_406 : i32
        %get3A_408 = arith.index_cast %add3A_407 : i32 to index
        %get3A_409 = tpu.vector_load %arg7[%get3A_408] {strides = array<i32>} : memref<10000xi32, #tpu.memory_space<vmem>>, vector<16xi32>,
        %gather3A_410 = tpu.vector_load_idx %arg5[%get3A_409] : memref<10000xi32, #tpu.memory_space<vmem>>[vector<16xi32>], vector<16xi32>,
        %mul3A_411 = arith.constant 80 : i32
        %mul3A_412 = arith.muli %scan3A_292, %mul3A_411 : i32
        %add3A_413 = arith.constant 64 : i32
        %add3A_414 = arith.addi %mul3A_412, %add3A_413 : i32
        %get3A_415 = arith.index_cast %add3A_414 : i32 to index
        %get3A_416 = tpu.vector_load %arg6[%get3A_415] {strides = array<i32>} : memref<10000xi32, #tpu.memory_space<vmem>>, vector<16xi32>,
        %mul3A_417 = arith.constant 10000 : i32
        %mul3A_418 = vector.broadcast %mul3A_417 : i32 to vector<16xi32>
        %mul3A_419 = arith.muli %gather3A_410, %mul3A_418 : vector<16xi32>
        %add3A_420 = arith.addi %mul3A_419, %get3A_416 : vector<16xi32>
        %swap3A_421 = arith.constant 64 : index
        %swap3A_422 = tpu.vector_load %arg9[%swap3A_421] {strides = array<i32>} : memref<80xi32, #tpu.memory_space<vmem>>, vector<16xi32>,
        tpu.vector_store %arg9[%swap3A_421], %add3A_420 {strides = array<i32>} : memref<80xi32, #tpu.memory_space<vmem>>, vector<16xi32>,
        %dma_start3A_423 = arith.constant 0 : i32
        %dma_start3A_424 = tpu.memref_slice %arg12[%dma_start3A_423] : memref<1280000xf32, #tpu.memory_space<vmem_shared>> -> memref<1280000xf32, #tpu.memory_space<vmem_shared>>
        tpu.enqueue_indirect_dma source(%arg10 : memref<80xf32, #tpu.memory_space<vmem>>) target(%dma_start3A_424 : memref<1280000xf32, #tpu.memory_space<vmem_shared>>) offsets(%arg9 : memref<80xi32, #tpu.memory_space<vmem>>) semaphore(%arg14 : memref<!tpu.dma_semaphore, #tpu.memory_space<semaphore_mem>>) {add = true}
      } else {
      }
    }
    %scan3A_273 = arith.constant 123 : i32
    %dma_wait3A_274 = arith.constant 0 : i32
    %dma_wait3A_275 = tpu.memref_slice %arg12[%dma_wait3A_274] : memref<1280000xf32, #tpu.memory_space<vmem_shared>> -> memref<1280000xf32, #tpu.memory_space<vmem_shared>>
    tpu.wait_indirect_dma semaphore(%arg13 : memref<!tpu.dma_semaphore, #tpu.memory_space<semaphore_mem>>) src(%arg10 : memref<80xf32, #tpu.memory_space<vmem>>) dst(%dma_wait3A_275 : memref<1280000xf32, #tpu.memory_space<vmem_shared>>)
    %dma_wait3A_276 = arith.constant 0 : i32
    %dma_wait3A_277 = tpu.memref_slice %arg12[%dma_wait3A_276] : memref<1280000xf32, #tpu.memory_space<vmem_shared>> -> memref<1280000xf32, #tpu.memory_space<vmem_shared>>
    tpu.wait_indirect_dma semaphore(%arg14 : memref<!tpu.dma_semaphore, #tpu.memory_space<semaphore_mem>>) src(%arg10 : memref<80xf32, #tpu.memory_space<vmem>>) dst(%dma_wait3A_277 : memref<1280000xf32, #tpu.memory_space<vmem_shared>>)
    %barrier3A_278 = arith.constant 0 : index
    tpu.barrier barrier_id(%barrier3A_278)
    %mul3A_279 = arith.constant 8 : i32
    %mul3A_280 = arith.muli %arg1, %mul3A_279 : i32
    %mul3A_281 = arith.constant 10000 : i32
    %mul3A_282 = arith.muli %mul3A_280, %mul3A_281 : i32
    %mul3A_283 = arith.constant 128 : i32
    %mul3A_284 = arith.muli %arg0, %mul3A_283 : i32
    %mul3A_285 = arith.constant 10000 : i32
    %mul3A_286 = arith.muli %mul3A_284, %mul3A_285 : i32
    %mul3A_287 = arith.constant 8 : i32
    %mul3A_288 = arith.muli %arg1, %mul3A_287 : i32
    %mul3A_289 = arith.constant 10000 : i32
    %mul3A_290 = arith.muli %mul3A_288, %mul3A_289 : i32
    %add3A_291 = arith.addi %mul3A_286, %mul3A_290 : i32
    "tpu.region"() ({
      %run_scoped3A = tpu.sem_alloc : memref<!tpu.dma_semaphore, #tpu.memory_space<semaphore_mem>>
      %dma_start3A_292 = tpu.memref_slice %arg4[%add3A_291] : memref<2560000xf32, #tpu.memory_space<hbm>> -> memref<80000xf32, #tpu.memory_space<hbm>>
      %dma_start3A_293 = tpu.memref_slice %arg12[%mul3A_282] : memref<1280000xf32, #tpu.memory_space<vmem_shared>> -> memref<80000xf32, #tpu.memory_space<vmem_shared>>
      tpu.enqueue_dma source(%dma_start3A_293 : memref<80000xf32, #tpu.memory_space<vmem_shared>>) target(%dma_start3A_292 : memref<80000xf32, #tpu.memory_space<hbm>>) target_semaphore(%run_scoped3A : memref<!tpu.dma_semaphore, #tpu.memory_space<semaphore_mem>>)
      %dma_wait3A_294 = tpu.memref_slice %arg4[%add3A_291] : memref<2560000xf32, #tpu.memory_space<hbm>> -> memref<80000xf32, #tpu.memory_space<hbm>>
      %dma_wait3A_295 = tpu.memref_slice %arg12[%mul3A_282] : memref<1280000xf32, #tpu.memory_space<vmem_shared>> -> memref<80000xf32, #tpu.memory_space<vmem_shared>>
      tpu.wait_dma2 semaphore(%run_scoped3A : memref<!tpu.dma_semaphore, #tpu.memory_space<semaphore_mem>>) src(%dma_wait3A_295 : memref<80000xf32, #tpu.memory_space<vmem_shared>>) dst(%dma_wait3A_294 : memref<80000xf32, #tpu.memory_space<hbm>>)
      tpu.yield
    }) : () -> ()
    return
  }
}

module attributes {stable_mosaic.version = 14 : i64} {
  func.func @_xpart_body(%arg0: memref<1x10000xi32, #tpu.memory_space<vmem>>, %arg1: memref<10000x128xf32, #tpu.memory_space<vmem>>, %arg2: memref<128x128xf32, #tpu.memory_space<vmem>>, %arg3: memref<128x128xf32, #tpu.memory_space<vmem>>, %arg4: memref<128x1xf32, #tpu.memory_space<vmem>>) attributes {dimension_semantics = [], scalar_prefetch = 0 : i64, scratch_operands = 0 : i64, tpu.core_type = #tpu.core_type<tc>} {
    %get3A = arith.constant 0 : index
    %get3A_0 = arith.constant 0 : index
    %get3A_1 = vector.load %arg0[%get3A, %get3A_0] : memref<1x10000xi32, #tpu.memory_space<vmem>>, vector<1x10000xi32>
    %get3A_2 = vector.shape_cast %get3A_1 : vector<1x10000xi32> to vector<10000xi32>
    %broadcast_in_dim3A = vector.shape_cast %get3A_2 : vector<10000xi32> to vector<10000x1xi32>
    %iota3A = tpu.iota {dimensions = array<i32: 1>} : vector<10000x128xi32>
    %eq3A = vector.broadcast %broadcast_in_dim3A : vector<10000x1xi32> to vector<10000x128xi32>
    %eq3A_3 = arith.cmpi eq, %eq3A, %iota3A : vector<10000x128xi32>
    %convert_element_type3A = arith.extui %eq3A_3 : vector<10000x128xi1> to vector<10000x128xi32>
    %convert_element_type3A_4 = arith.sitofp %convert_element_type3A : vector<10000x128xi32> to vector<10000x128xf32>
    %get3A_5 = arith.constant 0 : index
    %get3A_6 = arith.constant 0 : index
    %get3A_7 = vector.load %arg1[%get3A_5, %get3A_6] : memref<10000x128xf32, #tpu.memory_space<vmem>>, vector<10000x128xf32>
    %dot_general3A = arith.constant dense<0.000000e+00> : vector<128x128xf32>
    %dot_general3A_8 = tpu.matmul %convert_element_type3A_4, %get3A_7, %dot_general3A {dimension_numbers = #tpu.dot_dimension_numbers<[0], [0], [1], [1], [0, 1, 1, 1], [], []>, transpose_lhs_hint = false} : vector<10000x128xf32>, vector<10000x128xf32>, vector<128x128xf32> -> vector<128x128xf32>
    %broadcast_in_dim3A_9 = arith.constant 1.000000e+00 : f32
    %broadcast_in_dim3A_10 = vector.broadcast %broadcast_in_dim3A_9 : f32 to vector<10000x1xf32>
    %dot_general3A_11 = arith.constant dense<0.000000e+00> : vector<128x1xf32>
    %dot_general3A_12 = tpu.matmul %convert_element_type3A_4, %broadcast_in_dim3A_10, %dot_general3A_11 {dimension_numbers = #tpu.dot_dimension_numbers<[0], [0], [1], [1], [0, 1, 1, 1], [], []>, transpose_lhs_hint = false} : vector<10000x128xf32>, vector<10000x1xf32>, vector<128x1xf32> -> vector<128x1xf32>
    %swap3A = arith.constant 0 : index
    %swap3A_13 = arith.constant 0 : index
    %swap3A_14 = vector.load %arg4[%swap3A, %swap3A_13] : memref<128x1xf32, #tpu.memory_space<vmem>>, vector<128x1xf32>
    tpu.vector_store %arg4[%swap3A, %swap3A_13], %dot_general3A_12 {strides = array<i32>} : memref<128x1xf32, #tpu.memory_space<vmem>>, vector<128x1xf32>,
    %get3A_15 = arith.constant 0 : index
    %get3A_16 = arith.constant 0 : index
    %get3A_17 = vector.load %arg2[%get3A_15, %get3A_16] : memref<128x128xf32, #tpu.memory_space<vmem>>, vector<128x128xf32>
    %dot_general3A_18 = arith.constant dense<0.000000e+00> : vector<128x128xf32>
    %dot_general3A_19 = tpu.matmul %dot_general3A_8, %get3A_17, %dot_general3A_18 {dimension_numbers = #tpu.dot_dimension_numbers<[1], [0], [0], [1], [0, 0, 1, 1], [], []>, transpose_lhs_hint = false} : vector<128x128xf32>, vector<128x128xf32>, vector<128x128xf32> -> vector<128x128xf32>
    %swap3A_20 = arith.constant 0 : index
    %swap3A_21 = arith.constant 0 : index
    %swap3A_22 = vector.load %arg3[%swap3A_20, %swap3A_21] : memref<128x128xf32, #tpu.memory_space<vmem>>, vector<128x128xf32>
    tpu.vector_store %arg3[%swap3A_20, %swap3A_21], %dot_general3A_19 {strides = array<i32>} : memref<128x128xf32, #tpu.memory_space<vmem>>, vector<128x128xf32>,
    return
  }
}

module attributes {stable_mosaic.version = 14 : i64} {
  func.func @_combine_body(%arg0: memref<10000x128xf32, #tpu.memory_space<vmem>>, %arg1: memref<2x128x10000xf32, #tpu.memory_space<vmem>>, %arg2: memref<128x128xf32, #tpu.memory_space<vmem>>, %arg3: memref<1x128xf32, #tpu.memory_space<vmem>>, %arg4: memref<128x128xf32, #tpu.memory_space<vmem>>, %arg5: memref<128x1xf32, #tpu.memory_space<vmem>>, %arg6: memref<128x10xf32, #tpu.memory_space<vmem>>, %arg7: memref<1x10xf32, #tpu.memory_space<vmem>>, %arg8: memref<128x10xf32, #tpu.memory_space<vmem>>) attributes {dimension_semantics = [], scalar_prefetch = 0 : i64, scratch_operands = 0 : i64, tpu.core_type = #tpu.core_type<tc>} {
    %get3A = arith.constant 0 : index
    %get3A_0 = arith.constant 0 : index
    %get3A_1 = vector.load %arg0[%get3A, %get3A_0] : memref<10000x128xf32, #tpu.memory_space<vmem>>, vector<10000x128xf32>
    %get3A_2 = arith.constant 0 : index
    %get3A_3 = arith.constant 0 : index
    %get3A_4 = arith.constant 0 : index
    %get3A_5 = vector.load %arg1[%get3A_2, %get3A_3, %get3A_4] : memref<2x128x10000xf32, #tpu.memory_space<vmem>>, vector<1x128x10000xf32>
    %get3A_6 = vector.shape_cast %get3A_5 : vector<1x128x10000xf32> to vector<128x10000xf32>
    %get3A_7 = arith.constant 1 : index
    %get3A_8 = arith.constant 0 : index
    %get3A_9 = arith.constant 0 : index
    %get3A_10 = vector.load %arg1[%get3A_7, %get3A_8, %get3A_9] : memref<2x128x10000xf32, #tpu.memory_space<vmem>>, vector<1x128x10000xf32>
    %get3A_11 = vector.shape_cast %get3A_10 : vector<1x128x10000xf32> to vector<128x10000xf32>
    %add3A = arith.addf %get3A_6, %get3A_11 : vector<128x10000xf32>
    %dot_general3A = arith.constant dense<0.000000e+00> : vector<128x128xf32>
    %dot_general3A_12 = tpu.matmul %add3A, %get3A_1, %dot_general3A {dimension_numbers = #tpu.dot_dimension_numbers<[1], [0], [0], [1], [0, 0, 1, 1], [], []>, transpose_lhs_hint = false} : vector<128x10000xf32>, vector<10000x128xf32>, vector<128x128xf32> -> vector<128x128xf32>
    %get3A_13 = arith.constant 0 : index
    %get3A_14 = arith.constant 0 : index
    %get3A_15 = vector.load %arg5[%get3A_13, %get3A_14] : memref<128x1xf32, #tpu.memory_space<vmem>>, vector<128x1xf32>
    %get3A_16 = arith.constant 0 : index
    %get3A_17 = arith.constant 0 : index
    %get3A_18 = vector.load %arg2[%get3A_16, %get3A_17] : memref<128x128xf32, #tpu.memory_space<vmem>>, vector<128x128xf32>
    %dot_general3A_19 = arith.constant dense<0.000000e+00> : vector<128x128xf32>
    %dot_general3A_20 = tpu.matmul %dot_general3A_12, %get3A_18, %dot_general3A_19 {dimension_numbers = #tpu.dot_dimension_numbers<[1], [0], [0], [1], [0, 0, 1, 1], [], []>, transpose_lhs_hint = false} : vector<128x128xf32>, vector<128x128xf32>, vector<128x128xf32> -> vector<128x128xf32>
    %get3A_21 = arith.constant 0 : index
    %get3A_22 = arith.constant 0 : index
    %get3A_23 = vector.load %arg3[%get3A_21, %get3A_22] : memref<1x128xf32, #tpu.memory_space<vmem>>, vector<1x128xf32>
    %mul3A = vector.broadcast %get3A_15 : vector<128x1xf32> to vector<128x128xf32>
    %mul3A_24 = vector.broadcast %get3A_23 : vector<1x128xf32> to vector<128x128xf32>
    %mul3A_25 = arith.mulf %mul3A, %mul3A_24 : vector<128x128xf32>
    %add3A_26 = arith.addf %dot_general3A_20, %mul3A_25 : vector<128x128xf32>
    %get3A_27 = arith.constant 0 : index
    %get3A_28 = arith.constant 0 : index
    %get3A_29 = vector.load %arg4[%get3A_27, %get3A_28] : memref<128x128xf32, #tpu.memory_space<vmem>>, vector<128x128xf32>
    %add3A_30 = arith.addf %add3A_26, %get3A_29 : vector<128x128xf32>
    %max3A = arith.constant 1.000000e+00 : f32
    %max3A_31 = vector.broadcast %max3A : f32 to vector<128x1xf32>
    %max3A_32 = arith.maximumf %get3A_15, %max3A_31 : vector<128x1xf32>
    %div3A = vector.broadcast %max3A_32 : vector<128x1xf32> to vector<128x128xf32>
    %div3A_33 = arith.divf %add3A_30, %div3A : vector<128x128xf32>
    %get3A_34 = arith.constant 0 : index
    %get3A_35 = arith.constant 0 : index
    %get3A_36 = vector.load %arg6[%get3A_34, %get3A_35] : memref<128x10xf32, #tpu.memory_space<vmem>>, vector<128x10xf32>
    %dot_general3A_37 = arith.constant dense<0.000000e+00> : vector<128x10xf32>
    %dot_general3A_38 = tpu.matmul %div3A_33, %get3A_36, %dot_general3A_37 {dimension_numbers = #tpu.dot_dimension_numbers<[1], [0], [0], [1], [0, 0, 1, 1], [], []>, transpose_lhs_hint = false} : vector<128x128xf32>, vector<128x10xf32>, vector<128x10xf32> -> vector<128x10xf32>
    %get3A_39 = arith.constant 0 : index
    %get3A_40 = arith.constant 0 : index
    %get3A_41 = vector.load %arg7[%get3A_39, %get3A_40] : memref<1x10xf32, #tpu.memory_space<vmem>>, vector<1x10xf32>
    %add3A_42 = vector.broadcast %get3A_41 : vector<1x10xf32> to vector<128x10xf32>
    %add3A_43 = arith.addf %dot_general3A_38, %add3A_42 : vector<128x10xf32>
    %swap3A = arith.constant 0 : index
    %swap3A_44 = arith.constant 0 : index
    %swap3A_45 = vector.load %arg8[%swap3A, %swap3A_44] : memref<128x10xf32, #tpu.memory_space<vmem>>, vector<128x10xf32>
    tpu.vector_store %arg8[%swap3A, %swap3A_44], %add3A_43 {strides = array<i32>} : memref<128x10xf32, #tpu.memory_space<vmem>>, vector<128x10xf32>,
    return
  }
}

</mosaic_0001>

<sc_bundles>
// kernel: kernel.5.cloned.1.call-start
scs
__scs_entry_jumppad:
0x0: {  	(pc) =	sbr.rel $0x88, $3  }
0x1: {  	(tag) =	ssettag $0x0;
	lr =	simm.s32 $0x1  }
0x2: {  	[smem:$0x3F99] =	sst lr;
	_ =	strace $0xD0000000  }
0x3: {  	_ = 	snop  }
0x4: {  	_ = 	snop  }
0x5: {  	_ = 	snop  }
0x6: {  	_ = 	snop  }
0x7: {  	_ = 	snop  }
__scs_overlays_trampoline_lowered:
0x8: {  	[smem:$0x3FA8] =	sst s0  }
0x9: {  	[smem:$0x3FA9] =	sst s1  }
0xa: {  	[smem:$0x3FAA] =	sst s2  }
0xb: {  	[smem:$0x3FAB] =	sst s3  }
0xc: {  	[smem:$0x3FAC] =	sst s4  }
0xd: {  	[smem:$0x3FAD] =	sst s5  }
0xe: {  	[smem:$0x3FAE] =	sst s6  }
0xf: {  	[smem:$0x3FAF] =	sst s7  }
0x10: {  	[smem:$0x3FB0] =	sst s8  }
0x11: {  	[smem:$0x3FB1] =	sst s9;
	s0 =	simm.s32 @!p0 $0x0  }
0x12: {  	s1 =	sld [smem:$0x3F97];
	s0 =	simm.s32 @p0 $0x1  }
0x13: {  	[smem:$0x3FB2] =	sst s0;
	s0 =	simm.s32 @!p1 $0x0  }
0x14: {  	s2 =	sld [smem:$0x3F96];
	s0 =	simm.s32 @p1 $0x1  }
0x15: {  	[smem:$0x3FB3] =	sst s0;
	s0 =	simm.s32 @!p2 $0x0  }
0x16: {  	s3 =	sld [smem:$0x3FDB];
	s0 =	simm.s32 @p2 $0x1  }
0x17: {  	s4 =	simm.s32 $0x1BF5;
	[smem:$0x3FB5] =	sst s0  }
0x18: {  	s0 =	sld [smem:$0x3F98];
	_ =	swait.ge [sflag:s4], $0x0  }
0x19: {  	s7 =	sld [smem:$0x3F99]  }
0x1a: {  	s8 =	sadd.s32 $0xFFFFE003, lr  }
0x1b: {  	s9 =	sadd.s32 $0xFFFFFEF7, lr;
	s5 =	simm.s32 $0xFFFFFFFF;
	p2 =	slt.u32 s8, $0xFFFFF086  }
0x1c: {  	p1 =	slt.u32 s9, $0xF7A;
	s5 =	simm.s32 @!p2 $0x0  }
0x1d: {  	s5 =	simm.s32 @p1 $0x1;
	p0 =	seq.s32 s7, s2  }
0x1e: {  	s7 =	smul.u32 @!p0 $0xF7A, s2;
	p2 =	seq.s32 @!p0 s5, $0x0  }
0x1f: {  	s9 =	smul.u32 $0xF7A, s1;
	s8 =	simm.s32 @!p0 $0x1BF5;
	p2 =	por !p2, p0  }
0x20: {  	[sflag:s8] =	ssyncset.s32 @!p0 $0xFFFFF086;
	s6 =	sadd.s32 @!p0 s3, s7;
	s7 =	simm.s32 @!p0 $0x108  }
0x21: {  	s3 =	sadd.s32 s3, s9;
	s6 =	sadd.s32 @!p0 $0x88, s6;
	s7 =	simm.s32 @p2 $0x1082  }
0x22: {  	[simem:s7], [sflag:s8] =	dma.local @!p0 [hbm:s6], $0xF7A  }
0x23: {  	s9 =	sor.u32 $0xD0000000, s2;
	s6 =	simm.s32 $0x108;
	_ =	swait.ge @!p0 [sflag:s8], $0x0  }
0x24: {  	s3 =	sadd.s32 $0x88, s3;
	s6 =	simm.s32 @!p1 $0x1082;
	[sflag:s4] =	ssyncset.s32 $0xFFFFF086  }
0x25: {  	[simem:s6], [sflag:s4] =	dma.local [hbm:s3], $0xF7A  }
0x26: {  	[smem:$0x3F99] =	sst s1;
	(tag) =	ssettag s2;
	_ =	strace s9  }
0x27: {  	s1 =	sld [smem:$0x3FA9]  }
0x28: {  	s2 =	sld [smem:$0x3FAA]  }
0x29: {  	s4 =	sld [smem:$0x3FAC]  }
0x2a: {  	p0 =	seq.s32 s5, $0x0;
	s5 =	sld [smem:$0x3FAD]  }
0x2b: {  	s6 =	sld [smem:$0x3FAE]  }
0x2c: {  	s7 =	sld [smem:$0x3FAF]  }
0x2d: {  	s3 =	simm.s32 $0x108;
	s8 =	sld [smem:$0x3FB0]  }
0x2e: {  	s3 =	simm.s32 @!p0 $0x1082;
	s9 =	sld [smem:$0x3FB1]  }
0x2f: {  	lr =	sadd.s32 s0, s3;
	s0 =	sld [smem:$0x3FA8]  }
0x30: {  	s3 =	sld [smem:$0x3FAB]  }
0x31: {  	[smem:$0x3FB4] =	sst s10  }
0x32: {  	s10 =	sld [smem:$0x3FB2];
	_ =	sdelay $0x3  }
0x33: {  	p0 =	seq.s32 s10, $0x1;
	s10 =	sld [smem:$0x3FB4];
	_ =	sdelay $0x3  }
0x34: {  	[smem:$0x3FB4] =	sst s10  }
0x35: {  	s10 =	sld [smem:$0x3FB3];
	_ =	sdelay $0x3  }
0x36: {  	p1 =	seq.s32 s10, $0x1;
	s10 =	sld [smem:$0x3FB4];
	_ =	sdelay $0x3  }
0x37: {  	[smem:$0x3FB4] =	sst s10  }
0x38: {  	s10 =	sld [smem:$0x3FB5]  }
0x39: {  	_ = 	snop;
	(pc) =	sbr.ind lr, $3  }
0x3a: {  	_ = 	snop  }
0x3b: {  	_ = 	snop  }
0x3c: {  	p2 =	seq.s32 s10, $0x1;
	s10 =	sld [smem:$0x3FB4]  }
0x3d: {  	_ =	shalt  }
0x3e: {  	_ =	shalt  }
0x3f: {  	_ =	shalt  }
0x40: {  	_ =	shalt  }
0x41: {  	_ =	shalt  }
0x42: {  	_ =	shalt  }
0x43: {  	_ =	shalt  }
0x44: {  	_ =	shalt  }
0x45: {  	_ =	shalt  }
0x46: {  	_ =	shalt  }
0x47: {  	_ =	shalt  }
0x48: {  	_ =	shalt  }
0x49: {  	_ =	shalt  }
0x4a: {  	_ =	shalt  }
0x4b: {  	_ =	shalt  }
0x4c: {  	_ =	shalt  }
0x4d: {  	_ =	shalt  }
0x4e: {  	_ =	shalt  }
0x4f: {  	_ =	shalt  }
0x50: {  	_ =	shalt  }
0x51: {  	_ =	shalt  }
0x52: {  	_ =	shalt  }
0x53: {  	_ =	shalt  }
0x54: {  	_ =	shalt  }
0x55: {  	_ =	shalt  }
0x56: {  	_ =	shalt  }
0x57: {  	_ =	shalt  }
0x58: {  	_ =	shalt  }
0x59: {  	_ =	shalt  }
0x5a: {  	_ =	shalt  }
0x5b: {  	_ =	shalt  }
0x5c: {  	_ =	shalt  }
0x5d: {  	_ =	shalt  }
0x5e: {  	_ =	shalt  }
0x5f: {  	_ =	shalt  }
0x60: {  	_ =	shalt  }
0x61: {  	_ =	shalt  }
0x62: {  	_ =	shalt  }
0x63: {  	_ =	shalt  }
0x64: {  	_ =	shalt  }
0x65: {  	_ =	shalt  }
0x66: {  	_ =	shalt  }
0x67: {  	_ =	shalt  }
0x68: {  	_ =	shalt  }
0x69: {  	_ =	shalt  }
0x6a: {  	_ =	shalt  }
0x6b: {  	_ =	shalt  }
0x6c: {  	_ =	shalt  }
0x6d: {  	_ =	shalt  }
0x6e: {  	_ =	shalt  }
0x6f: {  	_ =	shalt  }
0x70: {  	_ =	shalt  }
0x71: {  	_ =	shalt  }
0x72: {  	_ =	shalt  }
0x73: {  	_ =	shalt  }
0x74: {  	_ =	shalt  }
0x75: {  	_ =	shalt  }
0x76: {  	_ =	shalt  }
0x77: {  	_ =	shalt  }
0x78: {  	_ =	shalt  }
0x79: {  	_ =	shalt  }
0x7a: {  	_ =	shalt  }
0x7b: {  	_ =	shalt  }
0x7c: {  	_ =	shalt  }
0x7d: {  	_ =	shalt  }
0x7e: {  	_ =	shalt  }
0x7f: {  	_ =	shalt  }
0x80: {  	_ =	shalt  }
0x81: {  	_ =	shalt  }
0x82: {  	_ =	shalt  }
0x83: {  	_ =	shalt  }
0x84: {  	_ =	shalt  }
0x85: {  	_ =	shalt  }
0x86: {  	_ =	shalt  }
0x87: {  	_ =	shalt  }
.Lfunc_end0:
.L_simem_size_0:
called_computation_lowered:
.L_overlay_start_0:
0x88: {  	s2 =	sld [smem:$0x3FD9]  }
0x89: {  	s3 =	sld [smem:$0x3FFE];
	_ =	sdelay $0x1  }
0x8a: {  	s1 =	srdreg.scid  }
0x8b: {  	s0 =	sand.u32 $0x1, s1  }
0x8c: {  	s17 =	sshll.u32 s0, $0xA;
	s2 =	sadd.s32 s3, s2  }
0x8d: {  	s2 =	sadd.s32 s2, s17  }
0x8e: {  	[smem:$0x3FC0] =	sst s2  }
0x8f: {  	_ = 	snop  }
0x90: {  	s2 =	sld [smem:$0x3FC7];
	(tm) =	ssettm $0x1  }
0x91: {  	s18 =	sld [smem:$0x3FFB];
	_ =	sdelay $0x3  }
0x92: {  	_ =	strace s18  }
0x93: {  	s3 =	sld [smem:$0x3FFC];
	_ =	sdelay $0x3  }
0x94: {  	_ =	strace s3  }
0x95: {  	s3 =	sld [smem:$0x3FFD];
	_ =	sdelay $0x3  }
0x96: {  	_ =	strace s3  }
0x97: {  	_ =	strace $0x8FFFFFFF  }
0x98: {  	s19 =	sld [smem:$0x3FDB];
	_ =	sdelay $0x1  }
0x99: {  	s4 =	simm.s32 $_scs_section_size  }
0x9a: {  	s5 =	simm.s32 $_size__tile_overlayer_lowered;
	s6 =	simm.s32 $_tile_overlayer_lowered  }
0x9b: {  	s22 =	simm.s32 $0x1BFF;
	s21 =	sshll.u32 s6, $0x1;
	s3 =	sadd.s32 s4, s19  }
0x9c: {  	s7 =	simm.s32 $0x0;
	s20 =	sshll.u32 s5, $0x1;
	s5 =	sadd.s32 s21, s3  }
0x9d: {  	[timem:s7], [sflag:s22] =	dma.local [hbm:s5], s20  }
0x9e: {  	_ =	swait.ge [sflag:s22], s20  }
0x9f: {  	s4 =	ssub.s32 $0x0, s20;
	[sflag:s22] =	ssyncset.done $0x0  }
0xa0: {  	[sflag:s22] =	ssyncadd.s32 s4;
	_ =	sdelay $0x1  }
0xa1: {  	s23 =	simm.s32 $0x1B8B  }
0xa2: {  	_ =	swait.ge [sflag:s23], $0x1  }
0xa3: {  	[sflag:s23] =	ssyncset.done $0x0  }
0xa4: {  	s25 =	simm.s32 $0x1B8E;
	s24 =	sld [smem:$0x3FFE];
	[sflag:s23] =	ssyncadd.s32 $0xFFFFFFFF  }
0xa5: {  	s26 =	simm.s32 $execute0_lowered;
	[smem:$0x3FD2] =	sst s25  }
0xa6: {  	s5 =	sshll.u32 s26, $0x1;
	_ =	strace $0x80000046;
	[dreg:$0x1] =	wrdreg $0xFFFFFFFF  }
0xa7: {  	s28 =	simm.s32 $_size_execute0_lowered;
	s3 =	sadd.s32 s3, s5;
	[dreg:$0x0] =	wrdreg $0x0  }
0xa8: {  	s5 =	sshll.u32 s28, $0x1;
	[dreg:$0x2] =	wrdreg s3  }
0xa9: {  	[dreg:$0x3] =	wrdreg s5  }
0xaa: {  	[dreg:$0x4] =	wrdreg $0xC0  }
0xab: {  	_ =	task [dreg:s7], $0x5FFFF  }
0xac: {  	[dreg:$0x1] =	wrdreg $0xFFFFFFFF  }
0xad: {  	[dreg:$0x0] =	wrdreg $0x60  }
0xae: {  	[dreg:$0x2] =	wrdreg s24  }
0xaf: {  	[dreg:$0x3] =	wrdreg s2  }
0xb0: {  	[dreg:$0x4] =	wrdreg $0x9F800  }
0xb1: {  	[dreg:$0x5] =	wrdreg $0x9  }
0xb2: {  	_ =	task.clear_ibuf [dreg:s7], $0x6FFFF;
	_ =	strace $0x90000046  }
0xb3: {  	s29 =	simm.s32 $0x9;
	_ =	strace $0x80000048  }
0xb4: {  	_ =	swait.ge [sflag:s29], $0x1  }
0xb5: {  	[sflag:s29] =	ssyncadd.s32 $0xFFFFFFFF  }
0xb6: {  	_ =	strace $0x90000048  }
0xb7: {  	_ =	sfence  }
0xb8: {  	s30 =	sld [smem:$0x0];
	_ =	sdelay $0x2  }
0xb9: {  	s31 =	sshll.u32 s1, $0xD;
	s1 =	sshrl.u32 s1, $0x2  }
0xba: {  	s3 =	sand.u32 $0x4000, s31;
	s1 =	sadd.s32 s1, s30  }
0xbb: {  	s0 =	sor.u32 s3, s0;
	s1 =	sshll.u32 s1, $0x11  }
0xbc: {  	s0 =	sor.u32 s1, s0  }
0xbd: {  	s0 =	sadd.s32 $0x8F2B, s0  }
0xbe: {  	[sflag:s0] =	ssyncadd.remote.s32 $0x1  }
0xbf: {  	_ =	sfence.sel $0xFFFF  }
0xc0: {  	[dreg:$0x0] =	wrdreg $0xFFFFFFFF;
	(pc) =	sbr.abs _section_cstart, $3  }
0xc1: {  	[dreg:$0x1] =	wrdreg $0xFFFFFFFF  }
0xc2: {  	_ =	task.clear_ibuf [dreg:s7], $0x2FFFF;
	_ =	strace $0x9FFFFFFF  }
0xc3: {  	(tm) =	ssettm $0x7FFFFFFF  }
tec
execute0_lowered:
.L_overlay_start_1:
0x0: {  	(tag) =	ssettag $0x1  }
0x1: {  	s0 =	srdreg.scid;
	s26 =	stileid.u32  }
0x2: {  	s5 =	rddreg [dreg:$0x0];
	s4 =	simm.s32 $0x0;
	s17 =	simm.s32 $0x4  }
0x3: {  	s19 =	simm.s32 $0x4F00;
	s20 =	simm.s32 $0x7800;
	s21 =	simm.s32 $0x3  }
0x4: {  	s22 =	simm.s32 $0x50;
	s23 =	simm.s32 $0x7680;
	s24 =	simm.s32 $0x7780  }
0x5: {  	s25 =	simm.s32 $0x7700;
	s28 =	simm.s32 $0x2;
	s7 =	smul.u32 $0x13880, s26  }
0x6: {  	s29 =	simm.s32 $0x0;
	s1 =	sand.u32 $0x1, s0;
	s9 =	smul.u32 $0x4E200, s26  }
0x7: {  	s2 =	sshll.u32 s1, $0x4;
	s8 =	smul.u32 $0x138800, s1;
	s1 =	ssub.s32 $0x2, s1  }
0x8: {  	[smem:$0x7FF] =	sst s4;
	s3 =	sor.u32 s26, s2;
	s30 =	sshrl.u32 s1, $0x1  }
0x9: {  	s31 =	sshrl.u32 s9, $0x2;
	s26 =	simm.s32 $0x1;
	s6 =	smul.u32 $0x2710, s3  }
0xa: {  	s3 =	rddreg [dreg:$0x2];
	_ =	strace $0x80000047;
	s8 =	sadd.s32 s7, s8  }
0xb: {  	s1 =	ssub.s32 s1, s30;
	s8 =	sshrl.u32 s8, $0x3;
	s7 =	sadd.s32 s7, s3  }
0xc: {  	s14 =	sadd.s32 s31, s3;
	s16 =	smax.u32 s1, $0x1;
	s6 =	sshrl.u32 s6, $0x3  }
0xd: {  	s15 =	sadd.s32 s8, s5;
	s8 =	sadd.s32 $0x2710, s14;
	s9 =	sadd.s32 $0x4E20, s14  }
0xe: {  	s10 =	sadd.s32 $0x7530, s14;
	s11 =	sadd.s32 $0x9C40, s14;
	s12 =	sadd.s32 $0xC350, s14  }
0xf: {  	s13 =	sadd.s32 $0xEA60, s14;
	s14 =	sadd.s32 $0x11170, s14;
	s6 =	sadd.s32 s6, s5  }
0x10: {  	v0 =	vimm.f32 $0.0e+00;
	v1 =	vimm.f32 $1.000000000e+00;
	s15 =	sadd.s32 $0x15400, s15;
	s5 =	sadd.s32 $0x1A00, s6;
	s6 =	sadd.s32 $0xB640, s6  }
.LBB2_1:
0x11: {  	s0 =	rddreg [dreg:$0x1]  }
0x12: {  	[tilespmem:s4], [sflag:$0x4] =	stream.linear.gather [hbm4b:s0+s4], $0x2780, $0x38;
	[tilespmem:$0x1D800] =	vst v63  }
0x13: {  	_ =	swait.ge [sflag:s17], $0x2780  }
0x14: {  	[sflag:s17] =	ssyncset.done $0x0  }
0x15: {  	s31 =	simm.s32 $0x2780;
	[sflag:s17] =	ssyncadd.s32 $0xFFFFD880  }
0x16: {  	[tilespmem:s31], [sflag:$0x4] =	stream.linear.gather [hbm4b:s5+s4], $0x2710, $0x38;
	[tilespmem:$0x1D800] =	vst v63  }
0x17: {  	_ =	swait.ge [sflag:s17], $0x2710  }
0x18: {  	[sflag:s17] =	ssyncset.done $0x0  }
0x19: {  	[sflag:s17] =	ssyncadd.s32 $0xFFFFD8F0  }
0x1a: {  	[tilespmem:s19], [sflag:$0x4] =	stream.linear.gather [hbm4b:s6+s4], $0x2710, $0x38;
	[tilespmem:$0x1D800] =	vst v63  }
0x1b: {  	_ =	swait.ge [sflag:s17], $0x2710  }
0x1c: {  	[sflag:s17] =	ssyncset.done $0x0  }
0x1d: {  	s1 =	simm.s32 $0x40;
	s30 =	simm.s32 $0x0;
	[sflag:s17] =	ssyncadd.s32 $0xFFFFD8F0  }
.LBB2_2:
0x1e: {  	p0 =	sne.s32 s1, $0x9C00;
	[tilespmem:s30+$0x7800] =	vst v0;
	s30 =	smov.u32 s1;
	s1 =	sadd.s32 $0x40, s1  }
.Ltmp0:
0x1f: {  	(pc) =	sbr.rel @p0 .LBB2_2-.Ltmp0, $2  }
0x20: {  	_ =	sdelay $0x2  }
0x21: {  	s30 =	sshra.s32 s30, $0x2  }
0x22: {  	[tilespmem:s30+$0x7800] =	vst v0  }
0x23: {  	[tilespmem:$0x7780] =	vst v1  }
0x24: {  	[tilespmem:$0x7790] =	vst v1  }
0x25: {  	[tilespmem:$0x77A0] =	vst v1  }
0x26: {  	[tilespmem:$0x77B0] =	vst v1  }
0x27: {  	[tilespmem:$0x77C0] =	vst v1  }
0x28: {  	[spmem:s7] =	stream.linear.scatter [tilespmem:s20], [sflag:$0x3], $0x2710, $0x38;
	[tilespmem:$0x1D800] =	vst v63  }
0x29: {  	_ = 	snop  }
0x2a: {  	[spmem:s8] =	stream.linear.scatter [tilespmem:s20], [sflag:$0x3], $0x2710, $0x38;
	[tilespmem:$0x1D800] =	vst v63  }
0x2b: {  	_ = 	snop  }
0x2c: {  	[spmem:s9] =	stream.linear.scatter [tilespmem:s20], [sflag:$0x3], $0x2710, $0x38;
	[tilespmem:$0x1D800] =	vst v63  }
0x2d: {  	_ = 	snop  }
0x2e: {  	[spmem:s10] =	stream.linear.scatter [tilespmem:s20], [sflag:$0x3], $0x2710, $0x38;
	[tilespmem:$0x1D800] =	vst v63  }
0x2f: {  	_ = 	snop  }
0x30: {  	[spmem:s11] =	stream.linear.scatter [tilespmem:s20], [sflag:$0x3], $0x2710, $0x38;
	[tilespmem:$0x1D800] =	vst v63  }
0x31: {  	_ = 	snop  }
0x32: {  	[spmem:s12] =	stream.linear.scatter [tilespmem:s20], [sflag:$0x3], $0x2710, $0x38;
	[tilespmem:$0x1D800] =	vst v63  }
0x33: {  	_ = 	snop  }
0x34: {  	[spmem:s13] =	stream.linear.scatter [tilespmem:s20], [sflag:$0x3], $0x2710, $0x38;
	[tilespmem:$0x1D800] =	vst v63  }
0x35: {  	_ = 	snop  }
0x36: {  	[spmem:s14] =	stream.linear.scatter [tilespmem:s20], [sflag:$0x3], $0x2710, $0x38;
	[tilespmem:$0x1D800] =	vst v63  }
0x37: {  	_ =	swait.ge [sflag:s21], $0x2710  }
0x38: {  	[sflag:s21] =	ssyncset.done $0x0  }
0x39: {  	[sflag:s21] =	ssyncadd.s32 $0xFFFFD8F0  }
0x3a: {  	_ =	swait.ge [sflag:s21], $0x2710  }
0x3b: {  	[sflag:s21] =	ssyncset.done $0x0  }
0x3c: {  	[sflag:s21] =	ssyncadd.s32 $0xFFFFD8F0  }
0x3d: {  	_ =	swait.ge [sflag:s21], $0x2710  }
0x3e: {  	[sflag:s21] =	ssyncset.done $0x0  }
0x3f: {  	[sflag:s21] =	ssyncadd.s32 $0xFFFFD8F0  }
0x40: {  	_ =	swait.ge [sflag:s21], $0x2710  }
0x41: {  	[sflag:s21] =	ssyncset.done $0x0  }
0x42: {  	[sflag:s21] =	ssyncadd.s32 $0xFFFFD8F0  }
0x43: {  	_ =	swait.ge [sflag:s21], $0x2710  }
0x44: {  	[sflag:s21] =	ssyncset.done $0x0  }
0x45: {  	[sflag:s21] =	ssyncadd.s32 $0xFFFFD8F0  }
0x46: {  	_ =	swait.ge [sflag:s21], $0x2710  }
0x47: {  	[sflag:s21] =	ssyncset.done $0x0  }
0x48: {  	[sflag:s21] =	ssyncadd.s32 $0xFFFFD8F0  }
0x49: {  	_ =	swait.ge [sflag:s21], $0x2710  }
0x4a: {  	[sflag:s21] =	ssyncset.done $0x0  }
0x4b: {  	[sflag:s21] =	ssyncadd.s32 $0xFFFFD8F0  }
0x4c: {  	_ =	swait.ge [sflag:s21], $0x2710  }
0x4d: {  	[sflag:s21] =	ssyncset.done $0x0  }
0x4e: {  	[sflag:s21] =	ssyncadd.s32 $0xFFFFD8F0  }
0x4f: {  	[bflag:$0x0] =	sbarrier.arrive $0xFFFF  }
0x50: {  	v2 =	vld [tilespmem:$0x4F00];
	_ =	sdelay $0x7  }
0x51: {  	v2 =	vld.idx.msk [tilespmem:v2+s4+$0x0], $0xffff  }
0x52: {  	v3 =	vld [tilespmem:$0x4F10]  }
0x53: {  	v4 =	vld [tilespmem:$0x2780];
	_ =	sdelay $0x2  }
0x54: {  	v2 =	vmul.u32 $0x2710, v2;
	_ =	sdelay $0x1  }
0x55: {  	v2 =	vadd.s32 v4, v2  }
0x56: {  	[tilespmem:$0x7680] =	vst v2  }
0x57: {  	v2 =	vld.idx.msk [tilespmem:v3+s4+$0x0], $0xffff  }
0x58: {  	v3 =	vld [tilespmem:$0x4F20]  }
0x59: {  	v57 =	vld [tilespmem:$0x2790];
	_ =	sdelay $0x2  }
0x5a: {  	v2 =	vmul.u32 $0x2710, v2;
	_ =	sdelay $0x1  }
0x5b: {  	v2 =	vadd.s32 v57, v2  }
0x5c: {  	[tilespmem:$0x7690] =	vst v2  }
0x5d: {  	v2 =	vld.idx.msk [tilespmem:v3+s4+$0x0], $0xffff  }
0x5e: {  	v3 =	vld [tilespmem:$0x4F30]  }
0x5f: {  	v58 =	vld [tilespmem:$0x27A0];
	_ =	sdelay $0x2  }
0x60: {  	v2 =	vmul.u32 $0x2710, v2;
	_ =	sdelay $0x1  }
0x61: {  	v2 =	vadd.s32 v58, v2  }
0x62: {  	[tilespmem:$0x76A0] =	vst v2  }
0x63: {  	v2 =	vld.idx.msk [tilespmem:v3+s4+$0x0], $0xffff  }
0x64: {  	v3 =	vld [tilespmem:$0x4F40]  }
0x65: {  	v59 =	vld [tilespmem:$0x27B0];
	_ =	sdelay $0x2  }
0x66: {  	v2 =	vmul.u32 $0x2710, v2;
	_ =	sdelay $0x1  }
0x67: {  	v2 =	vadd.s32 v59, v2  }
0x68: {  	[tilespmem:$0x76B0] =	vst v2  }
0x69: {  	v2 =	vld.idx.msk [tilespmem:v3+s4+$0x0], $0xffff;
	_ =	sdelay $0x1  }
0x6a: {  	v3 =	vld [tilespmem:$0x27C0];
	_ =	sdelay $0x2  }
0x6b: {  	v2 =	vmul.u32 $0x2710, v2;
	_ =	sdelay $0x1  }
0x6c: {  	v2 =	vadd.s32 v3, v2  }
0x6d: {  	[tilespmem:$0x76C0] =	vst v2  }
0x6e: {  	[spmem:s3] =	stream.indirect.scatter.add.f32 [tilespmem:s24], [sflag:$0x1], $0x1, s23, s22, $0xb8;
	[tilespmem:$0x1D800] =	vst v63  }
0x6f: {  	v2 =	vld [tilespmem:$0x4F50];
	_ =	sdelay $0x7  }
0x70: {  	v2 =	vld.idx.msk [tilespmem:v2+s4+$0x0], $0xffff  }
0x71: {  	v3 =	vld [tilespmem:$0x4F60]  }
0x72: {  	v60 =	vld [tilespmem:$0x27D0];
	_ =	sdelay $0x2  }
0x73: {  	v2 =	vmul.u32 $0x2710, v2;
	_ =	sdelay $0x1  }
0x74: {  	v2 =	vadd.s32 v60, v2  }
0x75: {  	[tilespmem:$0x7700] =	vst v2  }
0x76: {  	v2 =	vld.idx.msk [tilespmem:v3+s4+$0x0], $0xffff  }
0x77: {  	v3 =	vld [tilespmem:$0x4F70]  }
0x78: {  	v61 =	vld [tilespmem:$0x27E0];
	_ =	sdelay $0x2  }
0x79: {  	v2 =	vmul.u32 $0x2710, v2;
	_ =	sdelay $0x1  }
0x7a: {  	v2 =	vadd.s32 v61, v2  }
0x7b: {  	[tilespmem:$0x7710] =	vst v2  }
0x7c: {  	v2 =	vld.idx.msk [tilespmem:v3+s4+$0x0], $0xffff  }
0x7d: {  	v3 =	vld [tilespmem:$0x4F80]  }
0x7e: {  	v62 =	vld [tilespmem:$0x27F0];
	_ =	sdelay $0x2  }
0x7f: {  	v2 =	vmul.u32 $0x2710, v2;
	_ =	sdelay $0x1  }
0x80: {  	v2 =	vadd.s32 v62, v2  }
0x81: {  	[tilespmem:$0x7720] =	vst v2  }
0x82: {  	v2 =	vld.idx.msk [tilespmem:v3+s4+$0x0], $0xffff  }
0x83: {  	v3 =	vld [tilespmem:$0x4F90]  }
0x84: {  	v63 =	vld [tilespmem:$0x2800];
	_ =	sdelay $0x2  }
0x85: {  	v2 =	vmul.u32 $0x2710, v2;
	_ =	sdelay $0x1  }
0x86: {  	v2 =	vadd.s32 v63, v2  }
0x87: {  	[tilespmem:$0x7730] =	vst v2  }
0x88: {  	v2 =	vld.idx.msk [tilespmem:v3+s4+$0x0], $0xffff;
	_ =	sdelay $0x1  }
0x89: {  	v3 =	vld [tilespmem:$0x2810];
	_ =	sdelay $0x2  }
0x8a: {  	v2 =	vmul.u32 $0x2710, v2;
	_ =	sdelay $0x1  }
0x8b: {  	v2 =	vadd.s32 v3, v2  }
0x8c: {  	s30 =	simm.s32 $0x2;
	s31 =	simm.s32 $0x4FE0;
	s1 =	simm.s32 $0x2860;
	[tilespmem:$0x7740] =	vst v2  }
0x8d: {  	[spmem:s3] =	stream.indirect.scatter.add.f32 [tilespmem:s24], [sflag:$0x2], $0x1, s25, s22, $0xb8;
	[tilespmem:$0x1D800] =	vst v63  }
.LBB2_4:
0x8e: {  	s2 =	sand.u32 $0x1, s30  }
0x8f: {  	p0 =	seq.s32 s2, $0x1  }
0x90: {  	s2 =	simm.s32 @p0 $0x2  }
0x91: {  	_ =	swait.ge @p0 [sflag:s2], $0x50  }
0x92: {  	[sflag:s2] =	ssyncset.done @p0 $0x0  }
0x93: {  	[sflag:s2] =	ssyncadd.s32 @p0 $0xFFFFFFB0  }
0x94: {  	v2 =	vld @p0 [tilespmem:s31+$0xFFFFFFC0];
	_ =	sdelay $0x6  }
0x95: {  	s2 =	simm.s32 @p0 $0x0  }
0x96: {  	v2 =	vld.idx.msk @p0 [tilespmem:v2+s2+$0x0], $0xffff;
	_ =	sdelay $0x1  }
0x97: {  	v3 =	vld @p0 [tilespmem:s1+$0xFFFFFFC0];
	_ =	sdelay $0x2  }
0x98: {  	v2 =	vmul.u32 @p0 $0x2710, v2;
	_ =	sdelay $0x1  }
0x99: {  	v2 =	vadd.s32 @p0 v3, v2  }
0x9a: {  	[tilespmem:$0x7700] =	vst @p0 v2  }
0x9b: {  	v2 =	vld @p0 [tilespmem:s31+$0xFFFFFFD0];
	_ =	sdelay $0x7  }
0x9c: {  	v2 =	vld.idx.msk @p0 [tilespmem:v2+s2+$0x0], $0xffff;
	_ =	sdelay $0x1  }
0x9d: {  	v3 =	vld @p0 [tilespmem:s1+$0xFFFFFFD0];
	_ =	sdelay $0x2  }
0x9e: {  	v2 =	vmul.u32 @p0 $0x2710, v2;
	_ =	sdelay $0x1  }
0x9f: {  	v2 =	vadd.s32 @p0 v3, v2  }
0xa0: {  	[tilespmem:$0x7710] =	vst @p0 v2  }
0xa1: {  	v2 =	vld @p0 [tilespmem:s31+$0xFFFFFFE0];
	_ =	sdelay $0x7  }
0xa2: {  	v2 =	vld.idx.msk @p0 [tilespmem:v2+s2+$0x0], $0xffff;
	_ =	sdelay $0x1  }
0xa3: {  	v3 =	vld @p0 [tilespmem:s1+$0xFFFFFFE0];
	_ =	sdelay $0x2  }
0xa4: {  	v2 =	vmul.u32 @p0 $0x2710, v2;
	_ =	sdelay $0x1  }
0xa5: {  	v2 =	vadd.s32 @p0 v3, v2  }
0xa6: {  	[tilespmem:$0x7720] =	vst @p0 v2  }
0xa7: {  	v2 =	vld @p0 [tilespmem:s31+$0xFFFFFFF0];
	_ =	sdelay $0x7  }
0xa8: {  	v2 =	vld.idx.msk @p0 [tilespmem:v2+s2+$0x0], $0xffff;
	_ =	sdelay $0x1  }
0xa9: {  	v3 =	vld @p0 [tilespmem:s1+$0xFFFFFFF0];
	_ =	sdelay $0x2  }
0xaa: {  	v2 =	vmul.u32 @p0 $0x2710, v2;
	_ =	sdelay $0x1  }
0xab: {  	v2 =	vadd.s32 @p0 v3, v2  }
0xac: {  	[tilespmem:$0x7730] =	vst @p0 v2  }
0xad: {  	v2 =	vld @p0 [tilespmem:s31+$0x0];
	_ =	sdelay $0x7  }
0xae: {  	v2 =	vld.idx.msk @p0 [tilespmem:v2+s2+$0x0], $0xffff;
	_ =	sdelay $0x1  }
0xaf: {  	v3 =	vld @p0 [tilespmem:s1+$0x0];
	_ =	sdelay $0x2  }
0xb0: {  	v2 =	vmul.u32 @p0 $0x2710, v2;
	_ =	sdelay $0x1  }
0xb1: {  	v2 =	vadd.s32 @p0 v3, v2  }
0xb2: {  	s0 =	simm.s32 @p0 $0x7700;
	s18 =	simm.s32 @p0 $0x7780;
	s2 =	simm.s32 @p0 $0x50;
	[tilespmem:$0x7740] =	vst @p0 v2  }
0xb3: {  	[spmem:s3] =	stream.indirect.scatter.add.f32 @p0 [tilespmem:s18], [sflag:$0x2], $0x1, s0, s2, $0xb8;
	[tilespmem:$0x1D800] =	vst v63  }
0xb4: {  	s0 =	simm.s32 @!p0 $0x1  }
0xb5: {  	_ =	swait.ge @!p0 [sflag:s0], $0x50  }
0xb6: {  	[sflag:s0] =	ssyncset.done @!p0 $0x0  }
0xb7: {  	[sflag:s0] =	ssyncadd.s32 @!p0 $0xFFFFFFB0  }
0xb8: {  	v2 =	vld @!p0 [tilespmem:s31+$0xFFFFFFC0];
	_ =	sdelay $0x6  }
0xb9: {  	s0 =	simm.s32 @!p0 $0x0  }
0xba: {  	v2 =	vld.idx.msk @!p0 [tilespmem:v2+s0+$0x0], $0xffff;
	_ =	sdelay $0x1  }
0xbb: {  	v3 =	vld @!p0 [tilespmem:s1+$0xFFFFFFC0];
	_ =	sdelay $0x2  }
0xbc: {  	v2 =	vmul.u32 @!p0 $0x2710, v2;
	_ =	sdelay $0x1  }
0xbd: {  	v2 =	vadd.s32 @!p0 v3, v2  }
0xbe: {  	[tilespmem:$0x7680] =	vst @!p0 v2  }
0xbf: {  	v2 =	vld @!p0 [tilespmem:s31+$0xFFFFFFD0];
	_ =	sdelay $0x7  }
0xc0: {  	v2 =	vld.idx.msk @!p0 [tilespmem:v2+s0+$0x0], $0xffff;
	_ =	sdelay $0x1  }
0xc1: {  	v3 =	vld @!p0 [tilespmem:s1+$0xFFFFFFD0];
	_ =	sdelay $0x2  }
0xc2: {  	v2 =	vmul.u32 @!p0 $0x2710, v2;
	_ =	sdelay $0x1  }
0xc3: {  	v2 =	vadd.s32 @!p0 v3, v2  }
0xc4: {  	[tilespmem:$0x7690] =	vst @!p0 v2  }
0xc5: {  	v2 =	vld @!p0 [tilespmem:s31+$0xFFFFFFE0];
	_ =	sdelay $0x7  }
0xc6: {  	v2 =	vld.idx.msk @!p0 [tilespmem:v2+s0+$0x0], $0xffff;
	_ =	sdelay $0x1  }
0xc7: {  	v3 =	vld @!p0 [tilespmem:s1+$0xFFFFFFE0];
	_ =	sdelay $0x2  }
0xc8: {  	v2 =	vmul.u32 @!p0 $0x2710, v2;
	_ =	sdelay $0x1  }
0xc9: {  	v2 =	vadd.s32 @!p0 v3, v2  }
0xca: {  	[tilespmem:$0x76A0] =	vst @!p0 v2  }
0xcb: {  	v2 =	vld @!p0 [tilespmem:s31+$0xFFFFFFF0];
	_ =	sdelay $0x7  }
0xcc: {  	v2 =	vld.idx.msk @!p0 [tilespmem:v2+s0+$0x0], $0xffff;
	_ =	sdelay $0x1  }
0xcd: {  	v3 =	vld @!p0 [tilespmem:s1+$0xFFFFFFF0];
	_ =	sdelay $0x2  }
0xce: {  	v2 =	vmul.u32 @!p0 $0x2710, v2;
	_ =	sdelay $0x1  }
0xcf: {  	v2 =	vadd.s32 @!p0 v3, v2  }
0xd0: {  	[tilespmem:$0x76B0] =	vst @!p0 v2  }
0xd1: {  	v2 =	vld @!p0 [tilespmem:s31+$0x0];
	_ =	sdelay $0x7  }
0xd2: {  	v2 =	vld.idx.msk @!p0 [tilespmem:v2+s0+$0x0], $0xffff;
	_ =	sdelay $0x1  }
0xd3: {  	v3 =	vld @!p0 [tilespmem:s1+$0x0];
	_ =	sdelay $0x2  }
0xd4: {  	v2 =	vmul.u32 @!p0 $0x2710, v2;
	_ =	sdelay $0x1  }
0xd5: {  	s30 =	sadd.s32 $0x1, s30;
	v2 =	vadd.s32 @!p0 v3, v2  }
0xd6: {  	s2 =	simm.s32 @!p0 $0x7680;
	s18 =	simm.s32 @!p0 $0x7780;
	s0 =	simm.s32 @!p0 $0x50;
	[tilespmem:$0x76C0] =	vst @!p0 v2  }
0xd7: {  	[spmem:s3] =	stream.indirect.scatter.add.f32 @!p0 [tilespmem:s18], [sflag:$0x1], $0x1, s2, s0, $0xb8;
	[tilespmem:$0x1D800] =	vst v63  }
0xd8: {  	p0 =	sne.s32 s30, $0x7D  }
.Ltmp1:
0xd9: {  	_ = 	snop;
	(pc) =	sbr.rel @p0 .LBB2_4-.Ltmp1, $2  }
0xda: {  	_ =	sdelay $0x2  }
0xdb: {  	s31 =	sadd.s32 $0x50, s31;
	s1 =	sadd.s32 $0x50, s1  }
0xdc: {  	_ =	swait.ge [sflag:s26], $0x50  }
0xdd: {  	[sflag:s26] =	ssyncset.done $0x0  }
0xde: {  	[sflag:s26] =	ssyncadd.s32 $0xFFFFFFB0  }
0xdf: {  	s0 =	stileid.u32;
	_ =	swait.ge [sflag:s28], $0x50  }
0xe0: {  	s1 =	sshrl.u32 s7, $0x3;
	s29 =	sadd.s32 $0x1, s29;
	[sflag:s28] =	ssyncset.done $0x0  }
0xe1: {  	s0 =	sshll.u32 s0, $0x6;
	p0 =	sne.s32 s29, s16;
	[sflag:s28] =	ssyncadd.s32 $0xFFFFFFB0  }
.Ltmp2:
0xe2: {  	s0 =	sor.u32 $0x1C04, s0;
	[bflag:$0x0] =	sbarrier.arrive $0xFFFF;
	(pc) =	sbr.rel @p0 .LBB2_1-.Ltmp2, $4  }
0xe3: {  	[hbm:s15], [sflag:s0] =	dma.local [spmem:s1], $0x2710  }
0xe4: {  	_ =	swait.ge [sflag:s17], $0x2710  }
0xe5: {  	[sflag:s17] =	ssyncset.done $0x0  }
0xe6: {  	[sflag:s17] =	ssyncadd.s32 $0xFFFFD8F0  }
0xe7: {  	_ =	sfence.sel $0x180000  }
0xe8: {  	[bflag:$0x0] =	sbarrier.arrive $0xFFFF  }
0xe9: {  	_ =	strace $0x90000047  }
0xea: {  	s0 =	stileid.u32;
	[bflag:$0x2] =	sbarrier.arrive $0xFFFF  }
0xeb: {  	p0 =	sne.s32 s0, $0x0;
	s0 =	rddreg [dreg:$0x3]  }
0xec: {  	s0 =	sadd.s32 @!p0 $0x100000, s0  }
0xed: {  	[sflag:s0] =	ssyncadd.tile.s32 @!p0 $0x1;
	_ =	shalt  }
.Lfunc_end2:
_tile_overlayer_lowered:
.L_overlay_start_2:
0xee: {  	(tag) =	ssettag $0x2  }
0xef: {  	s0 =	rddreg [dreg:$0x0];
	s2 =	stileid.u32  }
0xf0: {  	s1 =	rddreg [dreg:$0x1];
	p0 =	sne.s32 s2, $0x0  }
0xf1: {  	s3 =	rddreg [dreg:$0x2];
	[bflag:$0x3] =	sbarrier.arrive $0xFFFF;
	s2 =	simm.s32 @!p0 $0x1C04  }
0xf2: {  	[timem:s3], [sflag:s2] =	dma.local @!p0 [hbm:s0], s1  }
0xf3: {  	s0 =	simm.s32 @!p0 $0x4  }
0xf4: {  	_ =	swait.ge @!p0 [sflag:s0], s1  }
0xf5: {  	s1 =	ssub.s32 @!p0 $0x0, s1;
	[sflag:s0] =	ssyncset.done @!p0 $0x0  }
0xf6: {  	[sflag:s0] =	ssyncadd.s32 @!p0 s1  }
0xf7: {  	[bflag:$0x3] =	sbarrier.arrive $0xFFFF  }
0xf8: {  	_ =	shalt  }

</sc_bundles>
